<compile_context>
chip_gen: v7x
topology: tpu7x:2x2x1
jax: 0.10.2.dev20260603
libtpu: 0.0.44.dev20260713+nightly
codegen_flags: <defaults>
</compile_context>

<pallas_src>
import functools

import jax
import jax.numpy as jnp
from jax import lax
from jax.experimental import pallas as pl
from jax.experimental.pallas import tpu as pltpu
from jax.experimental.pallas import tpu_sc as plsc

_D = 128
_ROWS = 1440
_NC = 2
_NS = 16
_NW = _NC * _NS


def _fuse_body(tt_ref, ht_ref, mt_ref, w_ref, b_ref, out_ref):
    wt = w_ref[0:128, :]
    wh = w_ref[128:192, :]
    wm = w_ref[192:256, :]
    ttw = jnp.dot(tt_ref[...], wt, preferred_element_type=jnp.float32)
    hc = jnp.dot(ht_ref[...], wh, preferred_element_type=jnp.float32)
    mc = jnp.dot(mt_ref[...], wm, preferred_element_type=jnp.float32)
    row = lax.broadcasted_iota(jnp.int32, (_ROWS, 1), 0)
    eh = (row // 60 == lax.broadcasted_iota(jnp.int32, (_ROWS, 24), 1)).astype(jnp.float32)
    em = (row % 60 == lax.broadcasted_iota(jnp.int32, (_ROWS, 60), 1)).astype(jnp.float32)
    out_ref[...] = (ttw
                    + jnp.dot(eh, hc, preferred_element_type=jnp.float32)
                    + jnp.dot(em, mc, preferred_element_type=jnp.float32)
                    + b_ref[...])


_fuse = pl.pallas_call(
    _fuse_body,
    out_shape=jax.ShapeDtypeStruct((_ROWS, _D), jnp.float32),
)


@functools.lru_cache(maxsize=None)
def _make_gather(bt, seq):
    rpw = bt // _NW
    mesh = plsc.VectorSubcoreMesh(
        core_axis_name="c", subcore_axis_name="s",
        num_cores=_NC, num_subcores=_NS)

    @functools.partial(
        pl.kernel,
        mesh=mesh,
        out_type=jax.ShapeDtypeStruct((bt, seq, _D), jnp.float32),
        scratch_types=[
            pltpu.VMEM((rpw, seq), jnp.int32),
            pltpu.VMEM((4, seq, _D), jnp.float32),
            pltpu.VMEM((4, seq, _D), jnp.float32),
            pltpu.SemaphoreType.DMA,
            pltpu.SemaphoreType.DMA,
            pltpu.SemaphoreType.DMA,
            pltpu.SemaphoreType.DMA,
        ],
    )
    def gather(table_hbm, idx_hbm, out_hbm, idx_v, buf0, buf1, g0, g1, s0, s1):
        wid = lax.axis_index("s") * _NC + lax.axis_index("c")
        base = wid * rpw
        pltpu.sync_copy(idx_hbm.at[wid], idx_v)

        def drain(buf, sem):
            pltpu.make_async_copy(buf, out_hbm.at[pl.ds(base, 4)], sem).wait()

        def octet(g, carry):
            r0 = 8 * g

            @pl.when(g > 0)
            def _():
                drain(buf0, s0)
                drain(buf1, s1)

            cps0 = [pltpu.async_copy(table_hbm.at[idx_v.at[r0 + k]], buf0.at[k], g0)
                    for k in range(4)]
            cps1 = [pltpu.async_copy(table_hbm.at[idx_v.at[r0 + 4 + k]], buf1.at[k], g1)
                    for k in range(4)]
            for cp in cps0:
                cp.wait()
            pltpu.async_copy(buf0, out_hbm.at[pl.ds(base + r0, 4)], s0)
            for cp in cps1:
                cp.wait()
            pltpu.async_copy(buf1, out_hbm.at[pl.ds(base + r0 + 4, 4)], s1)
            return carry

        lax.fori_loop(0, rpw // 8, octet, 0)
        drain(buf0, s0)
        drain(buf1, s1)

    return gather


def kernel(time_indices, time_table, hour_table, minute_table, W, b):
    bt, seq = time_indices.shape
    fused = _fuse(time_table, hour_table, minute_table, W,
                  b.reshape(1, _D).astype(jnp.float32))
    idx = time_indices.astype(jnp.int32).reshape(_NW, bt // _NW, seq)
    return _make_gather(bt, seq)(fused, idx)

# --- scband reference (transcript-rebuilt; emitter-appended) ---
"""Pipeline reference for scband-temporal-embedding-18021682774305 (READ-ONLY COPY).

The authoritative reference and input builder live on the scoring server;
editing this copy changes nothing except your own understanding.
"""

import jax, jax.numpy as jnp
import numpy as np


def setup_inputs(seed: int = 0) -> dict:
    key = jax.random.key(seed)
    ks = jax.random.split(key, 6)
    time_indices = jax.random.randint(ks[0], (4096, 50), 0, 1440)
    time_table = jax.random.normal(ks[1], (1440, 128), dtype=jnp.float32)
    hour_table = jax.random.normal(ks[2], (24, 64), dtype=jnp.float32)
    minute_table = jax.random.normal(ks[3], (60, 64), dtype=jnp.float32)
    W = jax.random.normal(ks[4], (256, 128), dtype=jnp.float32) * (1.0 / np.sqrt(256.0))
    b = jax.random.normal(ks[5], (128,), dtype=jnp.float32) * 0.01
    return {
        "time_indices": time_indices,
        "time_table": time_table,
        "hour_table": hour_table,
        "minute_table": minute_table,
        "W": W,
        "b": b,
    }


def reference(time_indices, time_table, hour_table, minute_table, W, b):
    # clamp to valid minute-of-day range [0, 1439]
    idx = jnp.clip(time_indices, 0, 1439)
    # minute-level embedding lookup (gather)
    time_emb = jnp.take(time_table, idx, axis=0)
    # decompose into hour / minute components
    hours = idx // 60
    minutes = idx % 60
    hour_emb = jnp.take(hour_table, hours, axis=0)
    minute_emb = jnp.take(minute_table, minutes, axis=0)
    combined = jnp.concatenate([hour_emb, minute_emb], axis=-1)
    combined = jnp.concatenate([time_emb, combined], axis=-1)
    # combine projection: Linear(hidden_dim*2 -> hidden_dim)
    final_emb = combined @ W + b
    return final_emb

if __name__ == "__main__":
    import jax
    _d = setup_inputs()
    print(jax.jit(kernel)(*tuple(_d.values())))

</pallas_src>

<mosaic_0001>
#map = affine_map<(d0, d1) -> (0, 0)>
#map1 = affine_map<(d0, d1) -> (0, 0, 0)>
module attributes {stable_mosaic.version = 14 : i64} {
  func.func @gather(%arg0: i32, %arg1: i32, %arg2: memref<1440x128xf32, #tpu.memory_space<hbm>>, %arg3: memref<32x128x50xi32, #tpu.memory_space<hbm>>, %arg4: memref<4096x50x128xf32, #tpu.memory_space<hbm>>, %arg5: memref<128x50xi32, #tpu.memory_space<vmem>>, %arg6: memref<4x50x128xf32, #tpu.memory_space<vmem>>, %arg7: memref<4x50x128xf32, #tpu.memory_space<vmem>>, %arg8: memref<!tpu.dma_semaphore, #tpu.memory_space<semaphore_mem>>, %arg9: memref<!tpu.dma_semaphore, #tpu.memory_space<semaphore_mem>>, %arg10: memref<!tpu.dma_semaphore, #tpu.memory_space<semaphore_mem>>, %arg11: memref<!tpu.dma_semaphore, #tpu.memory_space<semaphore_mem>>) attributes {dimension_semantics = [#tpu.dimension_semantics<core_parallel>, #tpu.dimension_semantics<subcore_parallel>], iteration_bounds = array<i64: 2, 16>, scalar_prefetch = 0 : i64, scratch_operands = 7 : i64, tpu.core_type = #tpu.core_type<sc_vector_subcore>, window_params = [{transform_indices = #map}, {transform_indices = #map1}, {transform_indices = #map1}]} {
    %mul3A = arith.constant 2 : i32
    %mul3A_0 = arith.muli %arg1, %mul3A : i32
    %add3A = arith.addi %mul3A_0, %arg0 : i32
    %mul3A_1 = arith.constant 128 : i32
    %mul3A_2 = arith.muli %add3A, %mul3A_1 : i32
    "tpu.region"() ({
      %run_scoped3A = tpu.sem_alloc : memref<!tpu.dma_semaphore, #tpu.memory_space<semaphore_mem>>
      %dma_start3A = arith.constant 0 : i32
      %dma_start3A_19 = arith.constant 0 : i32
      %dma_start3A_20 = tpu.memref_slice %arg3[%add3A, %dma_start3A, %dma_start3A_19] : memref<32x128x50xi32, #tpu.memory_space<hbm>> -> memref<1x128x50xi32, #tpu.memory_space<hbm>>
      %dma_start3A_21 = tpu.memref_squeeze %dma_start3A_20 : memref<1x128x50xi32, #tpu.memory_space<hbm>> -> memref<128x50xi32, #tpu.memory_space<hbm>>
      %dma_start3A_22 = arith.constant 0 : i32
      %dma_start3A_23 = arith.constant 0 : i32
      %dma_start3A_24 = tpu.memref_slice %arg3[%add3A, %dma_start3A_22, %dma_start3A_23] : memref<32x128x50xi32, #tpu.memory_space<hbm>> -> memref<1x128x50xi32, #tpu.memory_space<hbm>>
      %dma_start3A_25 = tpu.memref_squeeze %dma_start3A_24 : memref<1x128x50xi32, #tpu.memory_space<hbm>> -> memref<128x50xi32, #tpu.memory_space<hbm>>
      tpu.enqueue_dma source(%dma_start3A_25 : memref<128x50xi32, #tpu.memory_space<hbm>>) target(%arg5 : memref<128x50xi32, #tpu.memory_space<vmem>>) target_semaphore(%run_scoped3A : memref<!tpu.dma_semaphore, #tpu.memory_space<semaphore_mem>>)
      %dma_wait3A_26 = arith.constant 0 : i32
      %dma_wait3A_27 = arith.constant 0 : i32
      %dma_wait3A_28 = tpu.memref_slice %arg3[%add3A, %dma_wait3A_26, %dma_wait3A_27] : memref<32x128x50xi32, #tpu.memory_space<hbm>> -> memref<1x128x50xi32, #tpu.memory_space<hbm>>
      %dma_wait3A_29 = tpu.memref_squeeze %dma_wait3A_28 : memref<1x128x50xi32, #tpu.memory_space<hbm>> -> memref<128x50xi32, #tpu.memory_space<hbm>>
      %dma_wait3A_30 = arith.constant 0 : i32
      %dma_wait3A_31 = arith.constant 0 : i32
      %dma_wait3A_32 = tpu.memref_slice %arg3[%add3A, %dma_wait3A_30, %dma_wait3A_31] : memref<32x128x50xi32, #tpu.memory_space<hbm>> -> memref<1x128x50xi32, #tpu.memory_space<hbm>>
      %dma_wait3A_33 = tpu.memref_squeeze %dma_wait3A_32 : memref<1x128x50xi32, #tpu.memory_space<hbm>> -> memref<128x50xi32, #tpu.memory_space<hbm>>
      tpu.wait_dma2 semaphore(%run_scoped3A : memref<!tpu.dma_semaphore, #tpu.memory_space<semaphore_mem>>) src(%dma_wait3A_33 : memref<128x50xi32, #tpu.memory_space<hbm>>) dst(%arg5 : memref<128x50xi32, #tpu.memory_space<vmem>>)
      tpu.yield
    }) : () -> ()
    %scan3A = arith.constant 0 : i32
    %scan3A_3 = arith.constant 0 : i32
    %scan3A_4 = arith.constant 16 : i32
    %scan3A_5 = arith.addi %scan3A_3, %scan3A_4 : i32
    %scan3A_6 = arith.constant 1 : i32
    scf.for %scan3A_19 = %scan3A_3 to %scan3A_5 step %scan3A_6  : i32 {
      %mul3A_20 = arith.constant 8 : i32
      %mul3A_21 = arith.muli %mul3A_20, %scan3A_19 : i32
      %gt3A = arith.constant 0 : i32
      %gt3A_22 = arith.cmpi sgt, %scan3A_19, %gt3A : i32
      %convert_element_type3A = arith.extui %gt3A_22 : i1 to i32
      %cond3A = arith.constant 0 : i32
      %cond3A_23 = arith.cmpi ne, %convert_element_type3A, %cond3A : i32
      scf.if %cond3A_23 {
        %dma_wait3A_239 = arith.constant 0 : i32
        %dma_wait3A_240 = arith.constant 0 : i32
        %dma_wait3A_241 = tpu.memref_slice %arg4[%mul3A_2, %dma_wait3A_239, %dma_wait3A_240] : memref<4096x50x128xf32, #tpu.memory_space<hbm>> -> memref<4x50x128xf32, #tpu.memory_space<hbm>>
        %dma_wait3A_242 = arith.constant 0 : i32
        %dma_wait3A_243 = arith.constant 0 : i32
        %dma_wait3A_244 = tpu.memref_slice %arg4[%mul3A_2, %dma_wait3A_242, %dma_wait3A_243] : memref<4096x50x128xf32, #tpu.memory_space<hbm>> -> memref<4x50x128xf32, #tpu.memory_space<hbm>>
        tpu.wait_dma2 semaphore(%arg10 : memref<!tpu.dma_semaphore, #tpu.memory_space<semaphore_mem>>) src(%arg6 : memref<4x50x128xf32, #tpu.memory_space<vmem>>) dst(%dma_wait3A_244 : memref<4x50x128xf32, #tpu.memory_space<hbm>>)
        %dma_wait3A_245 = arith.constant 0 : i32
        %dma_wait3A_246 = arith.constant 0 : i32
        %dma_wait3A_247 = tpu.memref_slice %arg4[%mul3A_2, %dma_wait3A_245, %dma_wait3A_246] : memref<4096x50x128xf32, #tpu.memory_space<hbm>> -> memref<4x50x128xf32, #tpu.memory_space<hbm>>
        %dma_wait3A_248 = arith.constant 0 : i32
        %dma_wait3A_249 = arith.constant 0 : i32
        %dma_wait3A_250 = tpu.memref_slice %arg4[%mul3A_2, %dma_wait3A_248, %dma_wait3A_249] : memref<4096x50x128xf32, #tpu.memory_space<hbm>> -> memref<4x50x128xf32, #tpu.memory_space<hbm>>
        tpu.wait_dma2 semaphore(%arg11 : memref<!tpu.dma_semaphore, #tpu.memory_space<semaphore_mem>>) src(%arg7 : memref<4x50x128xf32, #tpu.memory_space<vmem>>) dst(%dma_wait3A_250 : memref<4x50x128xf32, #tpu.memory_space<hbm>>)
      } else {
      }
      %add3A_24 = arith.constant 0 : i32
      %add3A_25 = arith.addi %mul3A_21, %add3A_24 : i32
      %dma_start3A = arith.constant 0 : i32
      %dma_start3A_26 = arith.constant 0 : i32
      %dma_start3A_27 = arith.constant 0 : i32
      %dma_start3A_28 = tpu.memref_slice %arg6[%dma_start3A, %dma_start3A_26, %dma_start3A_27] : memref<4x50x128xf32, #tpu.memory_space<vmem>> -> memref<1x50x128xf32, #tpu.memory_space<vmem>>
      %dma_start3A_29 = tpu.memref_squeeze %dma_start3A_28 : memref<1x50x128xf32, #tpu.memory_space<vmem>> -> memref<50x128xf32, #tpu.memory_space<vmem>>
      %dma_start3A_30 = arith.constant 0 : i32
      %dma_start3A_31 = tpu.memref_slice %arg5[%add3A_25, %dma_start3A_30] : memref<128x50xi32, #tpu.memory_space<vmem>> -> memref<1x50xi32, #tpu.memory_space<vmem>>
      %dma_start3A_32 = tpu.memref_squeeze %dma_start3A_31 : memref<1x50xi32, #tpu.memory_space<vmem>> -> memref<50xi32, #tpu.memory_space<vmem>>
      %dma_start3A_33 = arith.constant 0 : i32
      %dma_start3A_34 = arith.constant 0 : i32
      %dma_start3A_35 = tpu.memref_slice %arg2[%dma_start3A_33, %dma_start3A_34] : memref<1440x128xf32, #tpu.memory_space<hbm>> -> memref<1440x128xf32, #tpu.memory_space<hbm>>
      tpu.enqueue_indirect_dma source(%dma_start3A_35 : memref<1440x128xf32, #tpu.memory_space<hbm>>) target(%dma_start3A_29 : memref<50x128xf32, #tpu.memory_space<vmem>>) offsets(%dma_start3A_32 : memref<50xi32, #tpu.memory_space<vmem>>) semaphore(%arg8 : memref<!tpu.dma_semaphore, #tpu.memory_space<semaphore_mem>>)
      %add3A_36 = arith.constant 1 : i32
      %add3A_37 = arith.addi %mul3A_21, %add3A_36 : i32
      %dma_start3A_38 = arith.constant 1 : i32
      %dma_start3A_39 = arith.constant 0 : i32
      %dma_start3A_40 = arith.constant 0 : i32
      %dma_start3A_41 = tpu.memref_slice %arg6[%dma_start3A_38, %dma_start3A_39, %dma_start3A_40] : memref<4x50x128xf32, #tpu.memory_space<vmem>> -> memref<1x50x128xf32, #tpu.memory_space<vmem>>
      %dma_start3A_42 = tpu.memref_squeeze %dma_start3A_41 : memref<1x50x128xf32, #tpu.memory_space<vmem>> -> memref<50x128xf32, #tpu.memory_space<vmem>>
      %dma_start3A_43 = arith.constant 0 : i32
      %dma_start3A_44 = tpu.memref_slice %arg5[%add3A_37, %dma_start3A_43] : memref<128x50xi32, #tpu.memory_space<vmem>> -> memref<1x50xi32, #tpu.memory_space<vmem>>
      %dma_start3A_45 = tpu.memref_squeeze %dma_start3A_44 : memref<1x50xi32, #tpu.memory_space<vmem>> -> memref<50xi32, #tpu.memory_space<vmem>>
      %dma_start3A_46 = arith.constant 0 : i32
      %dma_start3A_47 = arith.constant 0 : i32
      %dma_start3A_48 = tpu.memref_slice %arg2[%dma_start3A_46, %dma_start3A_47] : memref<1440x128xf32, #tpu.memory_space<hbm>> -> memref<1440x128xf32, #tpu.memory_space<hbm>>
      tpu.enqueue_indirect_dma source(%dma_start3A_48 : memref<1440x128xf32, #tpu.memory_space<hbm>>) target(%dma_start3A_42 : memref<50x128xf32, #tpu.memory_space<vmem>>) offsets(%dma_start3A_45 : memref<50xi32, #tpu.memory_space<vmem>>) semaphore(%arg8 : memref<!tpu.dma_semaphore, #tpu.memory_space<semaphore_mem>>)
      %add3A_49 = arith.constant 2 : i32
      %add3A_50 = arith.addi %mul3A_21, %add3A_49 : i32
      %dma_start3A_51 = arith.constant 2 : i32
      %dma_start3A_52 = arith.constant 0 : i32
      %dma_start3A_53 = arith.constant 0 : i32
      %dma_start3A_54 = tpu.memref_slice %arg6[%dma_start3A_51, %dma_start3A_52, %dma_start3A_53] : memref<4x50x128xf32, #tpu.memory_space<vmem>> -> memref<1x50x128xf32, #tpu.memory_space<vmem>>
      %dma_start3A_55 = tpu.memref_squeeze %dma_start3A_54 : memref<1x50x128xf32, #tpu.memory_space<vmem>> -> memref<50x128xf32, #tpu.memory_space<vmem>>
      %dma_start3A_56 = arith.constant 0 : i32
      %dma_start3A_57 = tpu.memref_slice %arg5[%add3A_50, %dma_start3A_56] : memref<128x50xi32, #tpu.memory_space<vmem>> -> memref<1x50xi32, #tpu.memory_space<vmem>>
      %dma_start3A_58 = tpu.memref_squeeze %dma_start3A_57 : memref<1x50xi32, #tpu.memory_space<vmem>> -> memref<50xi32, #tpu.memory_space<vmem>>
      %dma_start3A_59 = arith.constant 0 : i32
      %dma_start3A_60 = arith.constant 0 : i32
      %dma_start3A_61 = tpu.memref_slice %arg2[%dma_start3A_59, %dma_start3A_60] : memref<1440x128xf32, #tpu.memory_space<hbm>> -> memref<1440x128xf32, #tpu.memory_space<hbm>>
      tpu.enqueue_indirect_dma source(%dma_start3A_61 : memref<1440x128xf32, #tpu.memory_space<hbm>>) target(%dma_start3A_55 : memref<50x128xf32, #tpu.memory_space<vmem>>) offsets(%dma_start3A_58 : memref<50xi32, #tpu.memory_space<vmem>>) semaphore(%arg8 : memref<!tpu.dma_semaphore, #tpu.memory_space<semaphore_mem>>)
      %add3A_62 = arith.constant 3 : i32
      %add3A_63 = arith.addi %mul3A_21, %add3A_62 : i32
      %dma_start3A_64 = arith.constant 3 : i32
      %dma_start3A_65 = arith.constant 0 : i32
      %dma_start3A_66 = arith.constant 0 : i32
      %dma_start3A_67 = tpu.memref_slice %arg6[%dma_start3A_64, %dma_start3A_65, %dma_start3A_66] : memref<4x50x128xf32, #tpu.memory_space<vmem>> -> memref<1x50x128xf32, #tpu.memory_space<vmem>>
      %dma_start3A_68 = tpu.memref_squeeze %dma_start3A_67 : memref<1x50x128xf32, #tpu.memory_space<vmem>> -> memref<50x128xf32, #tpu.memory_space<vmem>>
      %dma_start3A_69 = arith.constant 0 : i32
      %dma_start3A_70 = tpu.memref_slice %arg5[%add3A_63, %dma_start3A_69] : memref<128x50xi32, #tpu.memory_space<vmem>> -> memref<1x50xi32, #tpu.memory_space<vmem>>
      %dma_start3A_71 = tpu.memref_squeeze %dma_start3A_70 : memref<1x50xi32, #tpu.memory_space<vmem>> -> memref<50xi32, #tpu.memory_space<vmem>>
      %dma_start3A_72 = arith.constant 0 : i32
      %dma_start3A_73 = arith.constant 0 : i32
      %dma_start3A_74 = tpu.memref_slice %arg2[%dma_start3A_72, %dma_start3A_73] : memref<1440x128xf32, #tpu.memory_space<hbm>> -> memref<1440x128xf32, #tpu.memory_space<hbm>>
      tpu.enqueue_indirect_dma source(%dma_start3A_74 : memref<1440x128xf32, #tpu.memory_space<hbm>>) target(%dma_start3A_68 : memref<50x128xf32, #tpu.memory_space<vmem>>) offsets(%dma_start3A_71 : memref<50xi32, #tpu.memory_space<vmem>>) semaphore(%arg8 : memref<!tpu.dma_semaphore, #tpu.memory_space<semaphore_mem>>)
      %add3A_75 = arith.constant 4 : i32
      %add3A_76 = arith.addi %mul3A_21, %add3A_75 : i32
      %add3A_77 = arith.constant 0 : i32
      %add3A_78 = arith.addi %add3A_76, %add3A_77 : i32
      %dma_start3A_79 = arith.constant 0 : i32
      %dma_start3A_80 = arith.constant 0 : i32
      %dma_start3A_81 = arith.constant 0 : i32
      %dma_start3A_82 = tpu.memref_slice %arg7[%dma_start3A_79, %dma_start3A_80, %dma_start3A_81] : memref<4x50x128xf32, #tpu.memory_space<vmem>> -> memref<1x50x128xf32, #tpu.memory_space<vmem>>
      %dma_start3A_83 = tpu.memref_squeeze %dma_start3A_82 : memref<1x50x128xf32, #tpu.memory_space<vmem>> -> memref<50x128xf32, #tpu.memory_space<vmem>>
      %dma_start3A_84 = arith.constant 0 : i32
      %dma_start3A_85 = tpu.memref_slice %arg5[%add3A_78, %dma_start3A_84] : memref<128x50xi32, #tpu.memory_space<vmem>> -> memref<1x50xi32, #tpu.memory_space<vmem>>
      %dma_start3A_86 = tpu.memref_squeeze %dma_start3A_85 : memref<1x50xi32, #tpu.memory_space<vmem>> -> memref<50xi32, #tpu.memory_space<vmem>>
      %dma_start3A_87 = arith.constant 0 : i32
      %dma_start3A_88 = arith.constant 0 : i32
      %dma_start3A_89 = tpu.memref_slice %arg2[%dma_start3A_87, %dma_start3A_88] : memref<1440x128xf32, #tpu.memory_space<hbm>> -> memref<1440x128xf32, #tpu.memory_space<hbm>>
      tpu.enqueue_indirect_dma source(%dma_start3A_89 : memref<1440x128xf32, #tpu.memory_space<hbm>>) target(%dma_start3A_83 : memref<50x128xf32, #tpu.memory_space<vmem>>) offsets(%dma_start3A_86 : memref<50xi32, #tpu.memory_space<vmem>>) semaphore(%arg9 : memref<!tpu.dma_semaphore, #tpu.memory_space<semaphore_mem>>)
      %add3A_90 = arith.constant 4 : i32
      %add3A_91 = arith.addi %mul3A_21, %add3A_90 : i32
      %add3A_92 = arith.constant 1 : i32
      %add3A_93 = arith.addi %add3A_91, %add3A_92 : i32
      %dma_start3A_94 = arith.constant 1 : i32
      %dma_start3A_95 = arith.constant 0 : i32
      %dma_start3A_96 = arith.constant 0 : i32
      %dma_start3A_97 = tpu.memref_slice %arg7[%dma_start3A_94, %dma_start3A_95, %dma_start3A_96] : memref<4x50x128xf32, #tpu.memory_space<vmem>> -> memref<1x50x128xf32, #tpu.memory_space<vmem>>
      %dma_start3A_98 = tpu.memref_squeeze %dma_start3A_97 : memref<1x50x128xf32, #tpu.memory_space<vmem>> -> memref<50x128xf32, #tpu.memory_space<vmem>>
      %dma_start3A_99 = arith.constant 0 : i32
      %dma_start3A_100 = tpu.memref_slice %arg5[%add3A_93, %dma_start3A_99] : memref<128x50xi32, #tpu.memory_space<vmem>> -> memref<1x50xi32, #tpu.memory_space<vmem>>
      %dma_start3A_101 = tpu.memref_squeeze %dma_start3A_100 : memref<1x50xi32, #tpu.memory_space<vmem>> -> memref<50xi32, #tpu.memory_space<vmem>>
      %dma_start3A_102 = arith.constant 0 : i32
      %dma_start3A_103 = arith.constant 0 : i32
      %dma_start3A_104 = tpu.memref_slice %arg2[%dma_start3A_102, %dma_start3A_103] : memref<1440x128xf32, #tpu.memory_space<hbm>> -> memref<1440x128xf32, #tpu.memory_space<hbm>>
      tpu.enqueue_indirect_dma source(%dma_start3A_104 : memref<1440x128xf32, #tpu.memory_space<hbm>>) target(%dma_start3A_98 : memref<50x128xf32, #tpu.memory_space<vmem>>) offsets(%dma_start3A_101 : memref<50xi32, #tpu.memory_space<vmem>>) semaphore(%arg9 : memref<!tpu.dma_semaphore, #tpu.memory_space<semaphore_mem>>)
      %add3A_105 = arith.constant 4 : i32
      %add3A_106 = arith.addi %mul3A_21, %add3A_105 : i32
      %add3A_107 = arith.constant 2 : i32
      %add3A_108 = arith.addi %add3A_106, %add3A_107 : i32
      %dma_start3A_109 = arith.constant 2 : i32
      %dma_start3A_110 = arith.constant 0 : i32
      %dma_start3A_111 = arith.constant 0 : i32
      %dma_start3A_112 = tpu.memref_slice %arg7[%dma_start3A_109, %dma_start3A_110, %dma_start3A_111] : memref<4x50x128xf32, #tpu.memory_space<vmem>> -> memref<1x50x128xf32, #tpu.memory_space<vmem>>
      %dma_start3A_113 = tpu.memref_squeeze %dma_start3A_112 : memref<1x50x128xf32, #tpu.memory_space<vmem>> -> memref<50x128xf32, #tpu.memory_space<vmem>>
      %dma_start3A_114 = arith.constant 0 : i32
      %dma_start3A_115 = tpu.memref_slice %arg5[%add3A_108, %dma_start3A_114] : memref<128x50xi32, #tpu.memory_space<vmem>> -> memref<1x50xi32, #tpu.memory_space<vmem>>
      %dma_start3A_116 = tpu.memref_squeeze %dma_start3A_115 : memref<1x50xi32, #tpu.memory_space<vmem>> -> memref<50xi32, #tpu.memory_space<vmem>>
      %dma_start3A_117 = arith.constant 0 : i32
      %dma_start3A_118 = arith.constant 0 : i32
      %dma_start3A_119 = tpu.memref_slice %arg2[%dma_start3A_117, %dma_start3A_118] : memref<1440x128xf32, #tpu.memory_space<hbm>> -> memref<1440x128xf32, #tpu.memory_space<hbm>>
      tpu.enqueue_indirect_dma source(%dma_start3A_119 : memref<1440x128xf32, #tpu.memory_space<hbm>>) target(%dma_start3A_113 : memref<50x128xf32, #tpu.memory_space<vmem>>) offsets(%dma_start3A_116 : memref<50xi32, #tpu.memory_space<vmem>>) semaphore(%arg9 : memref<!tpu.dma_semaphore, #tpu.memory_space<semaphore_mem>>)
      %add3A_120 = arith.constant 4 : i32
      %add3A_121 = arith.addi %mul3A_21, %add3A_120 : i32
      %add3A_122 = arith.constant 3 : i32
      %add3A_123 = arith.addi %add3A_121, %add3A_122 : i32
      %dma_start3A_124 = arith.constant 3 : i32
      %dma_start3A_125 = arith.constant 0 : i32
      %dma_start3A_126 = arith.constant 0 : i32
      %dma_start3A_127 = tpu.memref_slice %arg7[%dma_start3A_124, %dma_start3A_125, %dma_start3A_126] : memref<4x50x128xf32, #tpu.memory_space<vmem>> -> memref<1x50x128xf32, #tpu.memory_space<vmem>>
      %dma_start3A_128 = tpu.memref_squeeze %dma_start3A_127 : memref<1x50x128xf32, #tpu.memory_space<vmem>> -> memref<50x128xf32, #tpu.memory_space<vmem>>
      %dma_start3A_129 = arith.constant 0 : i32
      %dma_start3A_130 = tpu.memref_slice %arg5[%add3A_123, %dma_start3A_129] : memref<128x50xi32, #tpu.memory_space<vmem>> -> memref<1x50xi32, #tpu.memory_space<vmem>>
      %dma_start3A_131 = tpu.memref_squeeze %dma_start3A_130 : memref<1x50xi32, #tpu.memory_space<vmem>> -> memref<50xi32, #tpu.memory_space<vmem>>
      %dma_start3A_132 = arith.constant 0 : i32
      %dma_start3A_133 = arith.constant 0 : i32
      %dma_start3A_134 = tpu.memref_slice %arg2[%dma_start3A_132, %dma_start3A_133] : memref<1440x128xf32, #tpu.memory_space<hbm>> -> memref<1440x128xf32, #tpu.memory_space<hbm>>
      tpu.enqueue_indirect_dma source(%dma_start3A_134 : memref<1440x128xf32, #tpu.memory_space<hbm>>) target(%dma_start3A_128 : memref<50x128xf32, #tpu.memory_space<vmem>>) offsets(%dma_start3A_131 : memref<50xi32, #tpu.memory_space<vmem>>) semaphore(%arg9 : memref<!tpu.dma_semaphore, #tpu.memory_space<semaphore_mem>>)
      %dma_wait3A_135 = arith.constant 0 : i32
      %dma_wait3A_136 = arith.constant 0 : i32
      %dma_wait3A_137 = arith.constant 0 : i32
      %dma_wait3A_138 = tpu.memref_slice %arg6[%dma_wait3A_135, %dma_wait3A_136, %dma_wait3A_137] : memref<4x50x128xf32, #tpu.memory_space<vmem>> -> memref<1x50x128xf32, #tpu.memory_space<vmem>>
      %dma_wait3A_139 = tpu.memref_squeeze %dma_wait3A_138 : memref<1x50x128xf32, #tpu.memory_space<vmem>> -> memref<50x128xf32, #tpu.memory_space<vmem>>
      %dma_wait3A_140 = arith.constant 0 : i32
      %dma_wait3A_141 = tpu.memref_slice %arg5[%add3A_25, %dma_wait3A_140] : memref<128x50xi32, #tpu.memory_space<vmem>> -> memref<1x50xi32, #tpu.memory_space<vmem>>
      %dma_wait3A_142 = tpu.memref_squeeze %dma_wait3A_141 : memref<1x50xi32, #tpu.memory_space<vmem>> -> memref<50xi32, #tpu.memory_space<vmem>>
      %dma_wait3A_143 = arith.constant 0 : i32
      %dma_wait3A_144 = arith.constant 0 : i32
      %dma_wait3A_145 = tpu.memref_slice %arg2[%dma_wait3A_143, %dma_wait3A_144] : memref<1440x128xf32, #tpu.memory_space<hbm>> -> memref<1440x128xf32, #tpu.memory_space<hbm>>
      tpu.wait_indirect_dma semaphore(%arg8 : memref<!tpu.dma_semaphore, #tpu.memory_space<semaphore_mem>>) src(%dma_wait3A_145 : memref<1440x128xf32, #tpu.memory_space<hbm>>) dst(%dma_wait3A_139 : memref<50x128xf32, #tpu.memory_space<vmem>>)
      %dma_wait3A_146 = arith.constant 1 : i32
      %dma_wait3A_147 = arith.constant 0 : i32
      %dma_wait3A_148 = arith.constant 0 : i32
      %dma_wait3A_149 = tpu.memref_slice %arg6[%dma_wait3A_146, %dma_wait3A_147, %dma_wait3A_148] : memref<4x50x128xf32, #tpu.memory_space<vmem>> -> memref<1x50x128xf32, #tpu.memory_space<vmem>>
      %dma_wait3A_150 = tpu.memref_squeeze %dma_wait3A_149 : memref<1x50x128xf32, #tpu.memory_space<vmem>> -> memref<50x128xf32, #tpu.memory_space<vmem>>
      %dma_wait3A_151 = arith.constant 0 : i32
      %dma_wait3A_152 = tpu.memref_slice %arg5[%add3A_37, %dma_wait3A_151] : memref<128x50xi32, #tpu.memory_space<vmem>> -> memref<1x50xi32, #tpu.memory_space<vmem>>
      %dma_wait3A_153 = tpu.memref_squeeze %dma_wait3A_152 : memref<1x50xi32, #tpu.memory_space<vmem>> -> memref<50xi32, #tpu.memory_space<vmem>>
      %dma_wait3A_154 = arith.constant 0 : i32
      %dma_wait3A_155 = arith.constant 0 : i32
      %dma_wait3A_156 = tpu.memref_slice %arg2[%dma_wait3A_154, %dma_wait3A_155] : memref<1440x128xf32, #tpu.memory_space<hbm>> -> memref<1440x128xf32, #tpu.memory_space<hbm>>
      tpu.wait_indirect_dma semaphore(%arg8 : memref<!tpu.dma_semaphore, #tpu.memory_space<semaphore_mem>>) src(%dma_wait3A_156 : memref<1440x128xf32, #tpu.memory_space<hbm>>) dst(%dma_wait3A_150 : memref<50x128xf32, #tpu.memory_space<vmem>>)
      %dma_wait3A_157 = arith.constant 2 : i32
      %dma_wait3A_158 = arith.constant 0 : i32
      %dma_wait3A_159 = arith.constant 0 : i32
      %dma_wait3A_160 = tpu.memref_slice %arg6[%dma_wait3A_157, %dma_wait3A_158, %dma_wait3A_159] : memref<4x50x128xf32, #tpu.memory_space<vmem>> -> memref<1x50x128xf32, #tpu.memory_space<vmem>>
      %dma_wait3A_161 = tpu.memref_squeeze %dma_wait3A_160 : memref<1x50x128xf32, #tpu.memory_space<vmem>> -> memref<50x128xf32, #tpu.memory_space<vmem>>
      %dma_wait3A_162 = arith.constant 0 : i32
      %dma_wait3A_163 = tpu.memref_slice %arg5[%add3A_50, %dma_wait3A_162] : memref<128x50xi32, #tpu.memory_space<vmem>> -> memref<1x50xi32, #tpu.memory_space<vmem>>
      %dma_wait3A_164 = tpu.memref_squeeze %dma_wait3A_163 : memref<1x50xi32, #tpu.memory_space<vmem>> -> memref<50xi32, #tpu.memory_space<vmem>>
      %dma_wait3A_165 = arith.constant 0 : i32
      %dma_wait3A_166 = arith.constant 0 : i32
      %dma_wait3A_167 = tpu.memref_slice %arg2[%dma_wait3A_165, %dma_wait3A_166] : memref<1440x128xf32, #tpu.memory_space<hbm>> -> memref<1440x128xf32, #tpu.memory_space<hbm>>
      tpu.wait_indirect_dma semaphore(%arg8 : memref<!tpu.dma_semaphore, #tpu.memory_space<semaphore_mem>>) src(%dma_wait3A_167 : memref<1440x128xf32, #tpu.memory_space<hbm>>) dst(%dma_wait3A_161 : memref<50x128xf32, #tpu.memory_space<vmem>>)
      %dma_wait3A_168 = arith.constant 3 : i32
      %dma_wait3A_169 = arith.constant 0 : i32
      %dma_wait3A_170 = arith.constant 0 : i32
      %dma_wait3A_171 = tpu.memref_slice %arg6[%dma_wait3A_168, %dma_wait3A_169, %dma_wait3A_170] : memref<4x50x128xf32, #tpu.memory_space<vmem>> -> memref<1x50x128xf32, #tpu.memory_space<vmem>>
      %dma_wait3A_172 = tpu.memref_squeeze %dma_wait3A_171 : memref<1x50x128xf32, #tpu.memory_space<vmem>> -> memref<50x128xf32, #tpu.memory_space<vmem>>
      %dma_wait3A_173 = arith.constant 0 : i32
      %dma_wait3A_174 = tpu.memref_slice %arg5[%add3A_63, %dma_wait3A_173] : memref<128x50xi32, #tpu.memory_space<vmem>> -> memref<1x50xi32, #tpu.memory_space<vmem>>
      %dma_wait3A_175 = tpu.memref_squeeze %dma_wait3A_174 : memref<1x50xi32, #tpu.memory_space<vmem>> -> memref<50xi32, #tpu.memory_space<vmem>>
      %dma_wait3A_176 = arith.constant 0 : i32
      %dma_wait3A_177 = arith.constant 0 : i32
      %dma_wait3A_178 = tpu.memref_slice %arg2[%dma_wait3A_176, %dma_wait3A_177] : memref<1440x128xf32, #tpu.memory_space<hbm>> -> memref<1440x128xf32, #tpu.memory_space<hbm>>
      tpu.wait_indirect_dma semaphore(%arg8 : memref<!tpu.dma_semaphore, #tpu.memory_space<semaphore_mem>>) src(%dma_wait3A_178 : memref<1440x128xf32, #tpu.memory_space<hbm>>) dst(%dma_wait3A_172 : memref<50x128xf32, #tpu.memory_space<vmem>>)
      %add3A_179 = arith.addi %mul3A_2, %mul3A_21 : i32
      %dma_start3A_180 = arith.constant 0 : i32
      %dma_start3A_181 = arith.constant 0 : i32
      %dma_start3A_182 = tpu.memref_slice %arg4[%add3A_179, %dma_start3A_180, %dma_start3A_181] : memref<4096x50x128xf32, #tpu.memory_space<hbm>> -> memref<4x50x128xf32, #tpu.memory_space<hbm>>
      %dma_start3A_183 = arith.constant 0 : i32
      %dma_start3A_184 = arith.constant 0 : i32
      %dma_start3A_185 = tpu.memref_slice %arg4[%add3A_179, %dma_start3A_183, %dma_start3A_184] : memref<4096x50x128xf32, #tpu.memory_space<hbm>> -> memref<4x50x128xf32, #tpu.memory_space<hbm>>
      tpu.enqueue_dma source(%arg6 : memref<4x50x128xf32, #tpu.memory_space<vmem>>) target(%dma_start3A_185 : memref<4x50x128xf32, #tpu.memory_space<hbm>>) target_semaphore(%arg10 : memref<!tpu.dma_semaphore, #tpu.memory_space<semaphore_mem>>)
      %dma_wait3A_186 = arith.constant 0 : i32
      %dma_wait3A_187 = arith.constant 0 : i32
      %dma_wait3A_188 = arith.constant 0 : i32
      %dma_wait3A_189 = tpu.memref_slice %arg7[%dma_wait3A_186, %dma_wait3A_187, %dma_wait3A_188] : memref<4x50x128xf32, #tpu.memory_space<vmem>> -> memref<1x50x128xf32, #tpu.memory_space<vmem>>
      %dma_wait3A_190 = tpu.memref_squeeze %dma_wait3A_189 : memref<1x50x128xf32, #tpu.memory_space<vmem>> -> memref<50x128xf32, #tpu.memory_space<vmem>>
      %dma_wait3A_191 = arith.constant 0 : i32
      %dma_wait3A_192 = tpu.memref_slice %arg5[%add3A_78, %dma_wait3A_191] : memref<128x50xi32, #tpu.memory_space<vmem>> -> memref<1x50xi32, #tpu.memory_space<vmem>>
      %dma_wait3A_193 = tpu.memref_squeeze %dma_wait3A_192 : memref<1x50xi32, #tpu.memory_space<vmem>> -> memref<50xi32, #tpu.memory_space<vmem>>
      %dma_wait3A_194 = arith.constant 0 : i32
      %dma_wait3A_195 = arith.constant 0 : i32
      %dma_wait3A_196 = tpu.memref_slice %arg2[%dma_wait3A_194, %dma_wait3A_195] : memref<1440x128xf32, #tpu.memory_space<hbm>> -> memref<1440x128xf32, #tpu.memory_space<hbm>>
      tpu.wait_indirect_dma semaphore(%arg9 : memref<!tpu.dma_semaphore, #tpu.memory_space<semaphore_mem>>) src(%dma_wait3A_196 : memref<1440x128xf32, #tpu.memory_space<hbm>>) dst(%dma_wait3A_190 : memref<50x128xf32, #tpu.memory_space<vmem>>)
      %dma_wait3A_197 = arith.constant 1 : i32
      %dma_wait3A_198 = arith.constant 0 : i32
      %dma_wait3A_199 = arith.constant 0 : i32
      %dma_wait3A_200 = tpu.memref_slice %arg7[%dma_wait3A_197, %dma_wait3A_198, %dma_wait3A_199] : memref<4x50x128xf32, #tpu.memory_space<vmem>> -> memref<1x50x128xf32, #tpu.memory_space<vmem>>
      %dma_wait3A_201 = tpu.memref_squeeze %dma_wait3A_200 : memref<1x50x128xf32, #tpu.memory_space<vmem>> -> memref<50x128xf32, #tpu.memory_space<vmem>>
      %dma_wait3A_202 = arith.constant 0 : i32
      %dma_wait3A_203 = tpu.memref_slice %arg5[%add3A_93, %dma_wait3A_202] : memref<128x50xi32, #tpu.memory_space<vmem>> -> memref<1x50xi32, #tpu.memory_space<vmem>>
      %dma_wait3A_204 = tpu.memref_squeeze %dma_wait3A_203 : memref<1x50xi32, #tpu.memory_space<vmem>> -> memref<50xi32, #tpu.memory_space<vmem>>
      %dma_wait3A_205 = arith.constant 0 : i32
      %dma_wait3A_206 = arith.constant 0 : i32
      %dma_wait3A_207 = tpu.memref_slice %arg2[%dma_wait3A_205, %dma_wait3A_206] : memref<1440x128xf32, #tpu.memory_space<hbm>> -> memref<1440x128xf32, #tpu.memory_space<hbm>>
      tpu.wait_indirect_dma semaphore(%arg9 : memref<!tpu.dma_semaphore, #tpu.memory_space<semaphore_mem>>) src(%dma_wait3A_207 : memref<1440x128xf32, #tpu.memory_space<hbm>>) dst(%dma_wait3A_201 : memref<50x128xf32, #tpu.memory_space<vmem>>)
      %dma_wait3A_208 = arith.constant 2 : i32
      %dma_wait3A_209 = arith.constant 0 : i32
      %dma_wait3A_210 = arith.constant 0 : i32
      %dma_wait3A_211 = tpu.memref_slice %arg7[%dma_wait3A_208, %dma_wait3A_209, %dma_wait3A_210] : memref<4x50x128xf32, #tpu.memory_space<vmem>> -> memref<1x50x128xf32, #tpu.memory_space<vmem>>
      %dma_wait3A_212 = tpu.memref_squeeze %dma_wait3A_211 : memref<1x50x128xf32, #tpu.memory_space<vmem>> -> memref<50x128xf32, #tpu.memory_space<vmem>>
      %dma_wait3A_213 = arith.constant 0 : i32
      %dma_wait3A_214 = tpu.memref_slice %arg5[%add3A_108, %dma_wait3A_213] : memref<128x50xi32, #tpu.memory_space<vmem>> -> memref<1x50xi32, #tpu.memory_space<vmem>>
      %dma_wait3A_215 = tpu.memref_squeeze %dma_wait3A_214 : memref<1x50xi32, #tpu.memory_space<vmem>> -> memref<50xi32, #tpu.memory_space<vmem>>
      %dma_wait3A_216 = arith.constant 0 : i32
      %dma_wait3A_217 = arith.constant 0 : i32
      %dma_wait3A_218 = tpu.memref_slice %arg2[%dma_wait3A_216, %dma_wait3A_217] : memref<1440x128xf32, #tpu.memory_space<hbm>> -> memref<1440x128xf32, #tpu.memory_space<hbm>>
      tpu.wait_indirect_dma semaphore(%arg9 : memref<!tpu.dma_semaphore, #tpu.memory_space<semaphore_mem>>) src(%dma_wait3A_218 : memref<1440x128xf32, #tpu.memory_space<hbm>>) dst(%dma_wait3A_212 : memref<50x128xf32, #tpu.memory_space<vmem>>)
      %dma_wait3A_219 = arith.constant 3 : i32
      %dma_wait3A_220 = arith.constant 0 : i32
      %dma_wait3A_221 = arith.constant 0 : i32
      %dma_wait3A_222 = tpu.memref_slice %arg7[%dma_wait3A_219, %dma_wait3A_220, %dma_wait3A_221] : memref<4x50x128xf32, #tpu.memory_space<vmem>> -> memref<1x50x128xf32, #tpu.memory_space<vmem>>
      %dma_wait3A_223 = tpu.memref_squeeze %dma_wait3A_222 : memref<1x50x128xf32, #tpu.memory_space<vmem>> -> memref<50x128xf32, #tpu.memory_space<vmem>>
      %dma_wait3A_224 = arith.constant 0 : i32
      %dma_wait3A_225 = tpu.memref_slice %arg5[%add3A_123, %dma_wait3A_224] : memref<128x50xi32, #tpu.memory_space<vmem>> -> memref<1x50xi32, #tpu.memory_space<vmem>>
      %dma_wait3A_226 = tpu.memref_squeeze %dma_wait3A_225 : memref<1x50xi32, #tpu.memory_space<vmem>> -> memref<50xi32, #tpu.memory_space<vmem>>
      %dma_wait3A_227 = arith.constant 0 : i32
      %dma_wait3A_228 = arith.constant 0 : i32
      %dma_wait3A_229 = tpu.memref_slice %arg2[%dma_wait3A_227, %dma_wait3A_228] : memref<1440x128xf32, #tpu.memory_space<hbm>> -> memref<1440x128xf32, #tpu.memory_space<hbm>>
      tpu.wait_indirect_dma semaphore(%arg9 : memref<!tpu.dma_semaphore, #tpu.memory_space<semaphore_mem>>) src(%dma_wait3A_229 : memref<1440x128xf32, #tpu.memory_space<hbm>>) dst(%dma_wait3A_223 : memref<50x128xf32, #tpu.memory_space<vmem>>)
      %add3A_230 = arith.addi %mul3A_2, %mul3A_21 : i32
      %add3A_231 = arith.constant 4 : i32
      %add3A_232 = arith.addi %add3A_230, %add3A_231 : i32
      %dma_start3A_233 = arith.constant 0 : i32
      %dma_start3A_234 = arith.constant 0 : i32
      %dma_start3A_235 = tpu.memref_slice %arg4[%add3A_232, %dma_start3A_233, %dma_start3A_234] : memref<4096x50x128xf32, #tpu.memory_space<hbm>> -> memref<4x50x128xf32, #tpu.memory_space<hbm>>
      %dma_start3A_236 = arith.constant 0 : i32
      %dma_start3A_237 = arith.constant 0 : i32
      %dma_start3A_238 = tpu.memref_slice %arg4[%add3A_232, %dma_start3A_236, %dma_start3A_237] : memref<4096x50x128xf32, #tpu.memory_space<hbm>> -> memref<4x50x128xf32, #tpu.memory_space<hbm>>
      tpu.enqueue_dma source(%arg7 : memref<4x50x128xf32, #tpu.memory_space<vmem>>) target(%dma_start3A_238 : memref<4x50x128xf32, #tpu.memory_space<hbm>>) target_semaphore(%arg11 : memref<!tpu.dma_semaphore, #tpu.memory_space<semaphore_mem>>)
    }
    %scan3A_7 = arith.constant 16 : i32
    %dma_wait3A = arith.constant 0 : i32
    %dma_wait3A_8 = arith.constant 0 : i32
    %dma_wait3A_9 = tpu.memref_slice %arg4[%mul3A_2, %dma_wait3A, %dma_wait3A_8] : memref<4096x50x128xf32, #tpu.memory_space<hbm>> -> memref<4x50x128xf32, #tpu.memory_space<hbm>>
    %dma_wait3A_10 = arith.constant 0 : i32
    %dma_wait3A_11 = arith.constant 0 : i32
    %dma_wait3A_12 = tpu.memref_slice %arg4[%mul3A_2, %dma_wait3A_10, %dma_wait3A_11] : memref<4096x50x128xf32, #tpu.memory_space<hbm>> -> memref<4x50x128xf32, #tpu.memory_space<hbm>>
    tpu.wait_dma2 semaphore(%arg10 : memref<!tpu.dma_semaphore, #tpu.memory_space<semaphore_mem>>) src(%arg6 : memref<4x50x128xf32, #tpu.memory_space<vmem>>) dst(%dma_wait3A_12 : memref<4x50x128xf32, #tpu.memory_space<hbm>>)
    %dma_wait3A_13 = arith.constant 0 : i32
    %dma_wait3A_14 = arith.constant 0 : i32
    %dma_wait3A_15 = tpu.memref_slice %arg4[%mul3A_2, %dma_wait3A_13, %dma_wait3A_14] : memref<4096x50x128xf32, #tpu.memory_space<hbm>> -> memref<4x50x128xf32, #tpu.memory_space<hbm>>
    %dma_wait3A_16 = arith.constant 0 : i32
    %dma_wait3A_17 = arith.constant 0 : i32
    %dma_wait3A_18 = tpu.memref_slice %arg4[%mul3A_2, %dma_wait3A_16, %dma_wait3A_17] : memref<4096x50x128xf32, #tpu.memory_space<hbm>> -> memref<4x50x128xf32, #tpu.memory_space<hbm>>
    tpu.wait_dma2 semaphore(%arg11 : memref<!tpu.dma_semaphore, #tpu.memory_space<semaphore_mem>>) src(%arg7 : memref<4x50x128xf32, #tpu.memory_space<vmem>>) dst(%dma_wait3A_18 : memref<4x50x128xf32, #tpu.memory_space<hbm>>)
    return
  }
}

module attributes {stable_mosaic.version = 14 : i64} {
  func.func @_fuse_body(%arg0: memref<1440x128xf32, #tpu.memory_space<vmem>>, %arg1: memref<24x64xf32, #tpu.memory_space<vmem>>, %arg2: memref<60x64xf32, #tpu.memory_space<vmem>>, %arg3: memref<256x128xf32, #tpu.memory_space<vmem>>, %arg4: memref<1x128xf32, #tpu.memory_space<vmem>>, %arg5: memref<1440x128xf32, #tpu.memory_space<vmem>>) attributes {dimension_semantics = [], scalar_prefetch = 0 : i64, scratch_operands = 0 : i64, tpu.core_type = #tpu.core_type<tc>} {
    %get3A = arith.constant 0 : index
    %get3A_0 = arith.constant 0 : index
    %get3A_1 = vector.load %arg3[%get3A, %get3A_0] : memref<256x128xf32, #tpu.memory_space<vmem>>, vector<128x128xf32>
    %get3A_2 = arith.constant 128 : index
    %get3A_3 = arith.constant 0 : index
    %get3A_4 = vector.load %arg3[%get3A_2, %get3A_3] : memref<256x128xf32, #tpu.memory_space<vmem>>, vector<64x128xf32>
    %get3A_5 = arith.constant 192 : index
    %get3A_6 = arith.constant 0 : index
    %get3A_7 = vector.load %arg3[%get3A_5, %get3A_6] : memref<256x128xf32, #tpu.memory_space<vmem>>, vector<64x128xf32>
    %get3A_8 = arith.constant 0 : index
    %get3A_9 = arith.constant 0 : index
    %get3A_10 = vector.load %arg0[%get3A_8, %get3A_9] : memref<1440x128xf32, #tpu.memory_space<vmem>>, vector<1440x128xf32>
    %dot_general3A = arith.constant dense<0.000000e+00> : vector<1440x128xf32>
    %dot_general3A_11 = tpu.matmul %get3A_10, %get3A_1, %dot_general3A {dimension_numbers = #tpu.dot_dimension_numbers<[1], [0], [0], [1], [0, 0, 1, 1], [], []>, transpose_lhs_hint = false} : vector<1440x128xf32>, vector<128x128xf32>, vector<1440x128xf32> -> vector<1440x128xf32>
    %get3A_12 = arith.constant 0 : index
    %get3A_13 = arith.constant 0 : index
    %get3A_14 = vector.load %arg1[%get3A_12, %get3A_13] : memref<24x64xf32, #tpu.memory_space<vmem>>, vector<24x64xf32>
    %dot_general3A_15 = arith.constant dense<0.000000e+00> : vector<24x128xf32>
    %dot_general3A_16 = tpu.matmul %get3A_14, %get3A_4, %dot_general3A_15 {dimension_numbers = #tpu.dot_dimension_numbers<[1], [0], [0], [1], [0, 0, 1, 1], [], []>, transpose_lhs_hint = false} : vector<24x64xf32>, vector<64x128xf32>, vector<24x128xf32> -> vector<24x128xf32>
    %get3A_17 = arith.constant 0 : index
    %get3A_18 = arith.constant 0 : index
    %get3A_19 = vector.load %arg2[%get3A_17, %get3A_18] : memref<60x64xf32, #tpu.memory_space<vmem>>, vector<60x64xf32>
    %dot_general3A_20 = arith.constant dense<0.000000e+00> : vector<60x128xf32>
    %dot_general3A_21 = tpu.matmul %get3A_19, %get3A_7, %dot_general3A_20 {dimension_numbers = #tpu.dot_dimension_numbers<[1], [0], [0], [1], [0, 0, 1, 1], [], []>, transpose_lhs_hint = false} : vector<60x64xf32>, vector<64x128xf32>, vector<60x128xf32> -> vector<60x128xf32>
    %iota3A = tpu.iota {dimensions = array<i32: 0>} : vector<1440x1xi32>
    %jit3A = arith.constant 60 : i32
    %div3A = vector.broadcast %jit3A : i32 to vector<1440x1xi32>
    %div3A_22 = arith.divsi %iota3A, %div3A : vector<1440x1xi32>
    %sign3A = arith.constant 0 : i32
    %sign3A_23 = vector.broadcast %sign3A : i32 to vector<1440x1xi32>
    %sign3A_24 = arith.cmpi sgt, %iota3A, %sign3A_23 : vector<1440x1xi32>
    %sign3A_25 = arith.extui %sign3A_24 : vector<1440x1xi1> to vector<1440x1xi32>
    %sign3A_26 = arith.constant 0 : i32
    %sign3A_27 = vector.broadcast %sign3A_26 : i32 to vector<1440x1xi32>
    %sign3A_28 = arith.cmpi slt, %iota3A, %sign3A_27 : vector<1440x1xi32>
    %sign3A_29 = arith.extui %sign3A_28 : vector<1440x1xi1> to vector<1440x1xi32>
    %sign3A_30 = arith.subi %sign3A_25, %sign3A_29 : vector<1440x1xi32>
    %sign3A_31 = arith.constant 0 : i32
    %sign3A_32 = arith.cmpi sgt, %jit3A, %sign3A_31 : i32
    %sign3A_33 = arith.extui %sign3A_32 : i1 to i32
    %sign3A_34 = arith.constant 0 : i32
    %sign3A_35 = arith.cmpi slt, %jit3A, %sign3A_34 : i32
    %sign3A_36 = arith.extui %sign3A_35 : i1 to i32
    %sign3A_37 = arith.subi %sign3A_33, %sign3A_36 : i32
    %ne3A = vector.broadcast %sign3A_37 : i32 to vector<1440x1xi32>
    %ne3A_38 = arith.cmpi ne, %sign3A_30, %ne3A : vector<1440x1xi32>
    %rem3A = vector.broadcast %jit3A : i32 to vector<1440x1xi32>
    %rem3A_39 = arith.remsi %iota3A, %rem3A : vector<1440x1xi32>
    %ne3A_40 = arith.constant 0 : i32
    %ne3A_41 = vector.broadcast %ne3A_40 : i32 to vector<1440x1xi32>
    %ne3A_42 = arith.cmpi ne, %rem3A_39, %ne3A_41 : vector<1440x1xi32>
    %and3A = arith.andi %ne3A_38, %ne3A_42 : vector<1440x1xi1>
    %sub3A = arith.constant 1 : i32
    %sub3A_43 = vector.broadcast %sub3A : i32 to vector<1440x1xi32>
    %sub3A_44 = arith.subi %div3A_22, %sub3A_43 : vector<1440x1xi32>
    %select_n3A = arith.select %and3A, %sub3A_44, %div3A_22 : vector<1440x1xi1>, vector<1440x1xi32>
    %iota3A_45 = tpu.iota {dimensions = array<i32: 1>} : vector<1440x24xi32>
    %eq3A = vector.broadcast %select_n3A : vector<1440x1xi32> to vector<1440x24xi32>
    %eq3A_46 = arith.cmpi eq, %eq3A, %iota3A_45 : vector<1440x24xi32>
    %convert_element_type3A = arith.extui %eq3A_46 : vector<1440x24xi1> to vector<1440x24xi32>
    %convert_element_type3A_47 = arith.sitofp %convert_element_type3A : vector<1440x24xi32> to vector<1440x24xf32>
    %jit3A_48 = arith.constant 60 : i32
    %eq3A_49 = arith.constant 0 : i32
    %eq3A_50 = arith.cmpi eq, %jit3A_48, %eq3A_49 : i32
    %jit3A_51 = arith.constant 1 : i32
    %select_n3A_52 = arith.select %eq3A_50, %jit3A_51, %jit3A_48 : i32
    %rem3A_53 = vector.broadcast %select_n3A_52 : i32 to vector<1440x1xi32>
    %rem3A_54 = arith.remsi %iota3A, %rem3A_53 : vector<1440x1xi32>
    %ne3A_55 = arith.constant 0 : i32
    %ne3A_56 = vector.broadcast %ne3A_55 : i32 to vector<1440x1xi32>
    %ne3A_57 = arith.cmpi ne, %rem3A_54, %ne3A_56 : vector<1440x1xi32>
    %lt3A = arith.constant 0 : i32
    %lt3A_58 = vector.broadcast %lt3A : i32 to vector<1440x1xi32>
    %lt3A_59 = arith.cmpi slt, %rem3A_54, %lt3A_58 : vector<1440x1xi32>
    %lt3A_60 = arith.constant 0 : i32
    %lt3A_61 = arith.cmpi slt, %select_n3A_52, %lt3A_60 : i32
    %ne3A_62 = vector.broadcast %lt3A_61 : i1 to vector<1440x1xi1>
    %ne3A_63 = vector.broadcast %ne3A_62 : vector<1440x1xi1> to vector<1440x1xi1>
    %ne3A_64 = arith.xori %lt3A_59, %ne3A_63 : vector<1440x1xi1>
    %and3A_65 = arith.andi %ne3A_64, %ne3A_57 : vector<1440x1xi1>
    %add3A = vector.broadcast %select_n3A_52 : i32 to vector<1440x1xi32>
    %add3A_66 = arith.addi %rem3A_54, %add3A : vector<1440x1xi32>
    %select_n3A_67 = arith.select %and3A_65, %add3A_66, %rem3A_54 : vector<1440x1xi1>, vector<1440x1xi32>
    %iota3A_68 = tpu.iota {dimensions = array<i32: 1>} : vector<1440x60xi32>
    %eq3A_69 = vector.broadcast %select_n3A_67 : vector<1440x1xi32> to vector<1440x60xi32>
    %eq3A_70 = arith.cmpi eq, %eq3A_69, %iota3A_68 : vector<1440x60xi32>
    %convert_element_type3A_71 = arith.extui %eq3A_70 : vector<1440x60xi1> to vector<1440x60xi32>
    %convert_element_type3A_72 = arith.sitofp %convert_element_type3A_71 : vector<1440x60xi32> to vector<1440x60xf32>
    %dot_general3A_73 = arith.constant dense<0.000000e+00> : vector<1440x128xf32>
    %dot_general3A_74 = tpu.matmul %convert_element_type3A_47, %dot_general3A_16, %dot_general3A_73 {dimension_numbers = #tpu.dot_dimension_numbers<[1], [0], [0], [1], [0, 0, 1, 1], [], []>, transpose_lhs_hint = false} : vector<1440x24xf32>, vector<24x128xf32>, vector<1440x128xf32> -> vector<1440x128xf32>
    %add3A_75 = arith.addf %dot_general3A_11, %dot_general3A_74 : vector<1440x128xf32>
    %dot_general3A_76 = arith.constant dense<0.000000e+00> : vector<1440x128xf32>
    %dot_general3A_77 = tpu.matmul %convert_element_type3A_72, %dot_general3A_21, %dot_general3A_76 {dimension_numbers = #tpu.dot_dimension_numbers<[1], [0], [0], [1], [0, 0, 1, 1], [], []>, transpose_lhs_hint = false} : vector<1440x60xf32>, vector<60x128xf32>, vector<1440x128xf32> -> vector<1440x128xf32>
    %add3A_78 = arith.addf %add3A_75, %dot_general3A_77 : vector<1440x128xf32>
    %get3A_79 = arith.constant 0 : index
    %get3A_80 = arith.constant 0 : index
    %get3A_81 = vector.load %arg4[%get3A_79, %get3A_80] : memref<1x128xf32, #tpu.memory_space<vmem>>, vector<1x128xf32>
    %add3A_82 = vector.broadcast %get3A_81 : vector<1x128xf32> to vector<1440x128xf32>
    %add3A_83 = arith.addf %add3A_78, %add3A_82 : vector<1440x128xf32>
    %swap3A = arith.constant 0 : index
    %swap3A_84 = arith.constant 0 : index
    %swap3A_85 = vector.load %arg5[%swap3A, %swap3A_84] : memref<1440x128xf32, #tpu.memory_space<vmem>>, vector<1440x128xf32>
    tpu.vector_store %arg5[%swap3A, %swap3A_84], %add3A_83 {strides = array<i32>} : memref<1440x128xf32, #tpu.memory_space<vmem>>, vector<1440x128xf32>,
    return
  }
}

</mosaic_0001>

<sc_bundles>
// kernel: kernel.4.cloned.1.call-start
scs
__scs_entry_jumppad:
0x0: {  	(pc) =	sbr.rel $0x88, $3  }
0x1: {  	(tag) =	ssettag $0x0;
	lr =	simm.s32 $0x1  }
0x2: {  	[smem:$0x3F9B] =	sst lr;
	_ =	strace $0xD0000000  }
0x3: {  	_ = 	snop  }
0x4: {  	_ = 	snop  }
0x5: {  	_ = 	snop  }
0x6: {  	_ = 	snop  }
0x7: {  	_ = 	snop  }
__scs_overlays_trampoline_lowered:
0x8: {  	[smem:$0x3FAA] =	sst s0  }
0x9: {  	[smem:$0x3FAB] =	sst s1  }
0xa: {  	[smem:$0x3FAC] =	sst s2  }
0xb: {  	[smem:$0x3FAD] =	sst s3  }
0xc: {  	[smem:$0x3FAE] =	sst s4  }
0xd: {  	[smem:$0x3FAF] =	sst s5  }
0xe: {  	[smem:$0x3FB0] =	sst s6  }
0xf: {  	[smem:$0x3FB1] =	sst s7  }
0x10: {  	[smem:$0x3FB2] =	sst s8  }
0x11: {  	[smem:$0x3FB3] =	sst s9;
	s0 =	simm.s32 @!p0 $0x0  }
0x12: {  	s1 =	sld [smem:$0x3F99];
	s0 =	simm.s32 @p0 $0x1  }
0x13: {  	[smem:$0x3FB4] =	sst s0;
	s0 =	simm.s32 @!p1 $0x0  }
0x14: {  	s2 =	sld [smem:$0x3F98];
	s0 =	simm.s32 @p1 $0x1  }
0x15: {  	[smem:$0x3FB5] =	sst s0;
	s0 =	simm.s32 @!p2 $0x0  }
0x16: {  	s3 =	sld [smem:$0x3FDB];
	s0 =	simm.s32 @p2 $0x1  }
0x17: {  	s4 =	simm.s32 $0x1BF5;
	[smem:$0x3FB7] =	sst s0  }
0x18: {  	s0 =	sld [smem:$0x3F9A];
	_ =	swait.ge [sflag:s4], $0x0  }
0x19: {  	s7 =	sld [smem:$0x3F9B]  }
0x1a: {  	s8 =	sadd.s32 $0xFFFFE003, lr  }
0x1b: {  	s9 =	sadd.s32 $0xFFFFFEF7, lr;
	s5 =	simm.s32 $0xFFFFFFFF;
	p2 =	slt.u32 s8, $0xFFFFF086  }
0x1c: {  	p1 =	slt.u32 s9, $0xF7A;
	s5 =	simm.s32 @!p2 $0x0  }
0x1d: {  	s5 =	simm.s32 @p1 $0x1;
	p0 =	seq.s32 s7, s2  }
0x1e: {  	s7 =	smul.u32 @!p0 $0xF7A, s2;
	p2 =	seq.s32 @!p0 s5, $0x0  }
0x1f: {  	s9 =	smul.u32 $0xF7A, s1;
	s8 =	simm.s32 @!p0 $0x1BF5;
	p2 =	por !p2, p0  }
0x20: {  	[sflag:s8] =	ssyncset.s32 @!p0 $0xFFFFF086;
	s6 =	sadd.s32 @!p0 s3, s7;
	s7 =	simm.s32 @!p0 $0x108  }
0x21: {  	s3 =	sadd.s32 s3, s9;
	s6 =	sadd.s32 @!p0 $0x88, s6;
	s7 =	simm.s32 @p2 $0x1082  }
0x22: {  	[simem:s7], [sflag:s8] =	dma.local @!p0 [hbm:s6], $0xF7A  }
0x23: {  	s9 =	sor.u32 $0xD0000000, s2;
	s6 =	simm.s32 $0x108;
	_ =	swait.ge @!p0 [sflag:s8], $0x0  }
0x24: {  	s3 =	sadd.s32 $0x88, s3;
	s6 =	simm.s32 @!p1 $0x1082;
	[sflag:s4] =	ssyncset.s32 $0xFFFFF086  }
0x25: {  	[simem:s6], [sflag:s4] =	dma.local [hbm:s3], $0xF7A  }
0x26: {  	[smem:$0x3F9B] =	sst s1;
	(tag) =	ssettag s2;
	_ =	strace s9  }
0x27: {  	s1 =	sld [smem:$0x3FAB]  }
0x28: {  	s2 =	sld [smem:$0x3FAC]  }
0x29: {  	s4 =	sld [smem:$0x3FAE]  }
0x2a: {  	p0 =	seq.s32 s5, $0x0;
	s5 =	sld [smem:$0x3FAF]  }
0x2b: {  	s6 =	sld [smem:$0x3FB0]  }
0x2c: {  	s7 =	sld [smem:$0x3FB1]  }
0x2d: {  	s3 =	simm.s32 $0x108;
	s8 =	sld [smem:$0x3FB2]  }
0x2e: {  	s3 =	simm.s32 @!p0 $0x1082;
	s9 =	sld [smem:$0x3FB3]  }
0x2f: {  	lr =	sadd.s32 s0, s3;
	s0 =	sld [smem:$0x3FAA]  }
0x30: {  	s3 =	sld [smem:$0x3FAD]  }
0x31: {  	[smem:$0x3FB6] =	sst s10  }
0x32: {  	s10 =	sld [smem:$0x3FB4];
	_ =	sdelay $0x3  }
0x33: {  	p0 =	seq.s32 s10, $0x1;
	s10 =	sld [smem:$0x3FB6];
	_ =	sdelay $0x3  }
0x34: {  	[smem:$0x3FB6] =	sst s10  }
0x35: {  	s10 =	sld [smem:$0x3FB5];
	_ =	sdelay $0x3  }
0x36: {  	p1 =	seq.s32 s10, $0x1;
	s10 =	sld [smem:$0x3FB6];
	_ =	sdelay $0x3  }
0x37: {  	[smem:$0x3FB6] =	sst s10  }
0x38: {  	s10 =	sld [smem:$0x3FB7]  }
0x39: {  	_ = 	snop;
	(pc) =	sbr.ind lr, $3  }
0x3a: {  	_ = 	snop  }
0x3b: {  	_ = 	snop  }
0x3c: {  	p2 =	seq.s32 s10, $0x1;
	s10 =	sld [smem:$0x3FB6]  }
0x3d: {  	_ =	shalt  }
0x3e: {  	_ =	shalt  }
0x3f: {  	_ =	shalt  }
0x40: {  	_ =	shalt  }
0x41: {  	_ =	shalt  }
0x42: {  	_ =	shalt  }
0x43: {  	_ =	shalt  }
0x44: {  	_ =	shalt  }
0x45: {  	_ =	shalt  }
0x46: {  	_ =	shalt  }
0x47: {  	_ =	shalt  }
0x48: {  	_ =	shalt  }
0x49: {  	_ =	shalt  }
0x4a: {  	_ =	shalt  }
0x4b: {  	_ =	shalt  }
0x4c: {  	_ =	shalt  }
0x4d: {  	_ =	shalt  }
0x4e: {  	_ =	shalt  }
0x4f: {  	_ =	shalt  }
0x50: {  	_ =	shalt  }
0x51: {  	_ =	shalt  }
0x52: {  	_ =	shalt  }
0x53: {  	_ =	shalt  }
0x54: {  	_ =	shalt  }
0x55: {  	_ =	shalt  }
0x56: {  	_ =	shalt  }
0x57: {  	_ =	shalt  }
0x58: {  	_ =	shalt  }
0x59: {  	_ =	shalt  }
0x5a: {  	_ =	shalt  }
0x5b: {  	_ =	shalt  }
0x5c: {  	_ =	shalt  }
0x5d: {  	_ =	shalt  }
0x5e: {  	_ =	shalt  }
0x5f: {  	_ =	shalt  }
0x60: {  	_ =	shalt  }
0x61: {  	_ =	shalt  }
0x62: {  	_ =	shalt  }
0x63: {  	_ =	shalt  }
0x64: {  	_ =	shalt  }
0x65: {  	_ =	shalt  }
0x66: {  	_ =	shalt  }
0x67: {  	_ =	shalt  }
0x68: {  	_ =	shalt  }
0x69: {  	_ =	shalt  }
0x6a: {  	_ =	shalt  }
0x6b: {  	_ =	shalt  }
0x6c: {  	_ =	shalt  }
0x6d: {  	_ =	shalt  }
0x6e: {  	_ =	shalt  }
0x6f: {  	_ =	shalt  }
0x70: {  	_ =	shalt  }
0x71: {  	_ =	shalt  }
0x72: {  	_ =	shalt  }
0x73: {  	_ =	shalt  }
0x74: {  	_ =	shalt  }
0x75: {  	_ =	shalt  }
0x76: {  	_ =	shalt  }
0x77: {  	_ =	shalt  }
0x78: {  	_ =	shalt  }
0x79: {  	_ =	shalt  }
0x7a: {  	_ =	shalt  }
0x7b: {  	_ =	shalt  }
0x7c: {  	_ =	shalt  }
0x7d: {  	_ =	shalt  }
0x7e: {  	_ =	shalt  }
0x7f: {  	_ =	shalt  }
0x80: {  	_ =	shalt  }
0x81: {  	_ =	shalt  }
0x82: {  	_ =	shalt  }
0x83: {  	_ =	shalt  }
0x84: {  	_ =	shalt  }
0x85: {  	_ =	shalt  }
0x86: {  	_ =	shalt  }
0x87: {  	_ =	shalt  }
.Lfunc_end0:
.L_simem_size_0:
called_computation_lowered:
.L_overlay_start_0:
0x88: {  	s2 =	sld [smem:$0x3FD9]  }
0x89: {  	s3 =	sld [smem:$0x3FFE];
	_ =	sdelay $0x1  }
0x8a: {  	s1 =	srdreg.scid  }
0x8b: {  	s0 =	sand.u32 $0x1, s1  }
0x8c: {  	s17 =	sshll.u32 s0, $0xA;
	s2 =	sadd.s32 s3, s2  }
0x8d: {  	s2 =	sadd.s32 s2, s17  }
0x8e: {  	[smem:$0x3FC2] =	sst s2  }
0x8f: {  	_ = 	snop  }
0x90: {  	s2 =	sld [smem:$0x3FD0];
	(tm) =	ssettm $0x1  }
0x91: {  	s18 =	sld [smem:$0x3FFB];
	_ =	sdelay $0x3  }
0x92: {  	_ =	strace s18  }
0x93: {  	s3 =	sld [smem:$0x3FFC];
	_ =	sdelay $0x3  }
0x94: {  	_ =	strace s3  }
0x95: {  	s3 =	sld [smem:$0x3FFD];
	_ =	sdelay $0x3  }
0x96: {  	_ =	strace s3  }
0x97: {  	_ =	strace $0x8FFFFFFF  }
0x98: {  	s19 =	sld [smem:$0x3FDB];
	_ =	sdelay $0x1  }
0x99: {  	s4 =	simm.s32 $_scs_section_size  }
0x9a: {  	s5 =	simm.s32 $_size__tile_overlayer_lowered;
	s6 =	simm.s32 $_tile_overlayer_lowered  }
0x9b: {  	s22 =	simm.s32 $0x1BFF;
	s21 =	sshll.u32 s6, $0x1;
	s3 =	sadd.s32 s4, s19  }
0x9c: {  	s7 =	simm.s32 $0x0;
	s20 =	sshll.u32 s5, $0x1;
	s5 =	sadd.s32 s21, s3  }
0x9d: {  	[timem:s7], [sflag:s22] =	dma.local [hbm:s5], s20  }
0x9e: {  	_ =	swait.ge [sflag:s22], s20  }
0x9f: {  	s4 =	ssub.s32 $0x0, s20;
	[sflag:s22] =	ssyncset.done $0x0  }
0xa0: {  	[sflag:s22] =	ssyncadd.s32 s4;
	_ =	sdelay $0x1  }
0xa1: {  	s23 =	simm.s32 $0x1B8B  }
0xa2: {  	_ =	swait.ge [sflag:s23], $0x1  }
0xa3: {  	[sflag:s23] =	ssyncset.done $0x0  }
0xa4: {  	s25 =	simm.s32 $0x1B8E;
	s24 =	sld [smem:$0x3FFE];
	[sflag:s23] =	ssyncadd.s32 $0xFFFFFFFF  }
0xa5: {  	s26 =	simm.s32 $execute0_lowered;
	[smem:$0x3FD2] =	sst s25  }
0xa6: {  	s5 =	sshll.u32 s26, $0x1;
	_ =	strace $0x80000046;
	[dreg:$0x1] =	wrdreg $0xFFFFFFFF  }
0xa7: {  	s28 =	simm.s32 $_size_execute0_lowered;
	s3 =	sadd.s32 s3, s5;
	[dreg:$0x0] =	wrdreg $0x0  }
0xa8: {  	s5 =	sshll.u32 s28, $0x1;
	[dreg:$0x2] =	wrdreg s3  }
0xa9: {  	[dreg:$0x3] =	wrdreg s5  }
0xaa: {  	[dreg:$0x4] =	wrdreg $0xC0  }
0xab: {  	_ =	task [dreg:s7], $0x5FFFF  }
0xac: {  	[dreg:$0x1] =	wrdreg $0xFFFFFFFF  }
0xad: {  	[dreg:$0x0] =	wrdreg $0x60  }
0xae: {  	[dreg:$0x2] =	wrdreg s24  }
0xaf: {  	[dreg:$0x3] =	wrdreg s2  }
0xb0: {  	[dreg:$0x4] =	wrdreg $0x9  }
0xb1: {  	_ =	task.clear_ibuf [dreg:s7], $0x5FFFF;
	_ =	strace $0x90000046  }
0xb2: {  	s29 =	simm.s32 $0x9;
	_ =	strace $0x80000048  }
0xb3: {  	_ =	swait.ge [sflag:s29], $0x1  }
0xb4: {  	[sflag:s29] =	ssyncadd.s32 $0xFFFFFFFF  }
0xb5: {  	_ =	strace $0x90000048  }
0xb6: {  	_ =	sfence  }
0xb7: {  	s30 =	sld [smem:$0x0];
	_ =	sdelay $0x2  }
0xb8: {  	s31 =	sshll.u32 s1, $0xD;
	s1 =	sshrl.u32 s1, $0x2  }
0xb9: {  	s3 =	sand.u32 $0x4000, s31;
	s1 =	sadd.s32 s1, s30  }
0xba: {  	s0 =	sor.u32 s3, s0;
	s1 =	sshll.u32 s1, $0x11  }
0xbb: {  	s0 =	sor.u32 s1, s0  }
0xbc: {  	s0 =	sadd.s32 $0x8F2B, s0  }
0xbd: {  	[sflag:s0] =	ssyncadd.remote.s32 $0x1  }
0xbe: {  	_ =	sfence.sel $0xFFFF  }
0xbf: {  	[dreg:$0x0] =	wrdreg $0xFFFFFFFF;
	(pc) =	sbr.abs _section_cstart, $3  }
0xc0: {  	[dreg:$0x1] =	wrdreg $0xFFFFFFFF  }
0xc1: {  	_ =	task.clear_ibuf [dreg:s7], $0x2FFFF;
	_ =	strace $0x9FFFFFFF  }
0xc2: {  	(tm) =	ssettm $0x7FFFFFFF  }
0xc3: {  	_ =	shalt  }
tec
execute0_lowered:
.L_overlay_start_1:
0x0: {  	(tag) =	ssettag $0x1  }
0x1: {  	s4 =	rddreg [dreg:$0x0]  }
0x2: {  	s5 =	rddreg [dreg:$0x1]  }
0x3: {  	s0 =	rddreg [dreg:$0x2];
	s2 =	simm.s32 $0x0;
	s3 =	srdreg.scid  }
0x4: {  	s1 =	stileid.u32;
	s12 =	simm.s32 $0x7800;
	s13 =	simm.s32 $0x9400  }
0x5: {  	s14 =	simm.s32 $0xB000;
	s15 =	simm.s32 $0xCC00;
	s16 =	simm.s32 $0xE800  }
0x6: {  	s17 =	simm.s32 $0x10400;
	s18 =	simm.s32 $0x1;
	s19 =	simm.s32 $0x2  }
0x7: {  	s20 =	simm.s32 $0x3;
	s21 =	simm.s32 $0x4;
	s22 =	simm.s32 $0x0  }
0x8: {  	[smem:$0x7FF] =	sst s2;
	s6 =	sand.u32 $0x1, s3;
	s8 =	smul.u32 $0x1C0000, s1  }
0x9: {  	s3 =	sadd.s32 $0x1000, s4;
	s11 =	sadd.s32 $0x6A00, s4;
	s28 =	smul.u32 $0x38000, s1  }
0xa: {  	s25 =	sshll.u32 s1, $0xC;
	_ =	strace $0x80000047;
	s10 =	smul.u32 $0xE0000, s6  }
0xb: {  	s7 =	ssub.s32 $0x2, s6;
	s26 =	sshll.u32 s6, $0xB;
	s29 =	smul.u32 $0x1C000, s6  }
0xc: {  	s9 =	sshrl.u32 s7, $0x1;
	s4 =	sor.u32 s26, s25;
	s31 =	sadd.s32 s28, s11  }
0xd: {  	s7 =	ssub.s32 s7, s9;
	s8 =	sadd.s32 s10, s8;
	s4 =	sadd.s32 s5, s4  }
0xe: {  	s9 =	simm.s32 $0x32;
	s10 =	simm.s32 $0x4000;
	s8 =	sor.u32 $0x7000, s8  }
0xf: {  	s5 =	smax.u32 s7, $0x1;
	s7 =	sadd.s32 s29, s31;
	s30 =	sshrl.u32 s8, $0x3  }
0x10: {  	s8 =	simm.s32 $0x5;
	s6 =	sadd.s32 s30, s11;
	s11 =	simm.s32 $0x5C00  }
.LBB2_1:
0x11: {  	[tilespmem:s2], [sflag:$0x5] =	stream.linear.gather [hbm4b:s4+s2], $0x4000, $0x38;
	[tilespmem:$0x12000] =	vst v63  }
0x12: {  	p0 =	por $0x1, $0x1;
	_ =	swait.ge [sflag:s8], $0x4000  }
0x13: {  	p0 =	por p0, p0;
	[sflag:s8] =	ssyncset.done $0x0  }
0x14: {  	s23 =	simm.s32 @!p0 $0x3;
	[sflag:s8] =	ssyncadd.s32 $0xFFFFC000  }
0x15: {  	_ =	swait.ge @!p0 [sflag:s23], $0x6400  }
0x16: {  	[sflag:s23] =	ssyncset.done @!p0 $0x0  }
0x17: {  	[sflag:s23] =	ssyncadd.s32 @!p0 $0xFFFF9C00;
	s23 =	simm.s32 @!p0 $0x4  }
0x18: {  	_ =	swait.ge @!p0 [sflag:s23], $0x6400  }
0x19: {  	[sflag:s23] =	ssyncset.done @!p0 $0x0  }
0x1a: {  	s31 =	simm.s32 $0x0;
	[sflag:s23] =	ssyncadd.s32 @!p0 $0xFFFF9C00  }
0x1b: {  	[tilespmem:s10], [sflag:$0x1] =	stream.indirect.gather [hbm4b:s3+s9], $0x80, s31, s9, $0xb8;
	[tilespmem:$0x12000] =	vst v63  }
0x1c: {  	s24 =	simm.s32 $0x80  }
0x1d: {  	[tilespmem:s11], [sflag:$0x1] =	stream.indirect.gather [hbm4b:s3+s9], $0x80, s24, s9, $0xb8;
	[tilespmem:$0x12000] =	vst v63  }
0x1e: {  	s25 =	simm.s32 $0x100  }
0x1f: {  	[tilespmem:s12], [sflag:$0x1] =	stream.indirect.gather [hbm4b:s3+s9], $0x80, s25, s9, $0xb8;
	[tilespmem:$0x12000] =	vst v63  }
0x20: {  	s26 =	simm.s32 $0x180  }
0x21: {  	[tilespmem:s13], [sflag:$0x1] =	stream.indirect.gather [hbm4b:s3+s9], $0x80, s26, s9, $0xb8;
	[tilespmem:$0x12000] =	vst v63  }
0x22: {  	s29 =	simm.s32 $0x200  }
0x23: {  	[tilespmem:s14], [sflag:$0x2] =	stream.indirect.gather [hbm4b:s3+s9], $0x80, s29, s9, $0xb8;
	[tilespmem:$0x12000] =	vst v63  }
0x24: {  	s30 =	simm.s32 $0x280  }
0x25: {  	[tilespmem:s15], [sflag:$0x2] =	stream.indirect.gather [hbm4b:s3+s9], $0x80, s30, s9, $0xb8;
	[tilespmem:$0x12000] =	vst v63  }
0x26: {  	s31 =	simm.s32 $0x300  }
0x27: {  	[tilespmem:s16], [sflag:$0x2] =	stream.indirect.gather [hbm4b:s3+s9], $0x80, s31, s9, $0xb8;
	[tilespmem:$0x12000] =	vst v63  }
0x28: {  	s24 =	simm.s32 $0x380  }
0x29: {  	[tilespmem:s17], [sflag:$0x2] =	stream.indirect.gather [hbm4b:s3+s9], $0x80, s24, s9, $0xb8;
	[tilespmem:$0x12000] =	vst v63  }
0x2a: {  	_ =	swait.ge [sflag:s18], $0x1900  }
0x2b: {  	[sflag:s18] =	ssyncset.done $0x0  }
0x2c: {  	[sflag:s18] =	ssyncadd.s32 $0xFFFFE700  }
0x2d: {  	_ =	swait.ge [sflag:s18], $0x1900  }
0x2e: {  	[sflag:s18] =	ssyncset.done $0x0  }
0x2f: {  	[sflag:s18] =	ssyncadd.s32 $0xFFFFE700  }
0x30: {  	_ =	swait.ge [sflag:s18], $0x1900  }
0x31: {  	[sflag:s18] =	ssyncset.done $0x0  }
0x32: {  	[sflag:s18] =	ssyncadd.s32 $0xFFFFE700  }
0x33: {  	_ =	swait.ge [sflag:s18], $0x1900  }
0x34: {  	[sflag:s18] =	ssyncset.done $0x0  }
0x35: {  	[sflag:s18] =	ssyncadd.s32 $0xFFFFE700  }
0x36: {  	[hbm4b:s7+s2] =	stream.linear.scatter [tilespmem:s10], [sflag:$0x3], $0x1900, $0x38;
	[tilespmem:$0x12000] =	vst v63  }
0x37: {  	s25 =	sadd.s32 $0x380, s7  }
0x38: {  	[hbm4b:s25+s2] =	stream.linear.scatter [tilespmem:s11], [sflag:$0x3], $0x1900, $0x38;
	[tilespmem:$0x12000] =	vst v63  }
0x39: {  	s26 =	sadd.s32 $0x700, s7  }
0x3a: {  	[hbm4b:s26+s2] =	stream.linear.scatter [tilespmem:s12], [sflag:$0x3], $0x1900, $0x38;
	[tilespmem:$0x12000] =	vst v63  }
0x3b: {  	s29 =	sadd.s32 $0xA80, s7  }
0x3c: {  	[hbm4b:s29+s2] =	stream.linear.scatter [tilespmem:s13], [sflag:$0x3], $0x1900, $0x38;
	[tilespmem:$0x12000] =	vst v63  }
0x3d: {  	_ =	swait.ge [sflag:s19], $0x1900  }
0x3e: {  	[sflag:s19] =	ssyncset.done $0x0  }
0x3f: {  	[sflag:s19] =	ssyncadd.s32 $0xFFFFE700  }
0x40: {  	_ =	swait.ge [sflag:s19], $0x1900  }
0x41: {  	[sflag:s19] =	ssyncset.done $0x0  }
0x42: {  	[sflag:s19] =	ssyncadd.s32 $0xFFFFE700  }
0x43: {  	_ =	swait.ge [sflag:s19], $0x1900  }
0x44: {  	[sflag:s19] =	ssyncset.done $0x0  }
0x45: {  	[sflag:s19] =	ssyncadd.s32 $0xFFFFE700  }
0x46: {  	_ =	swait.ge [sflag:s19], $0x1900  }
0x47: {  	p6 =	por $0x0, $0x0;
	[sflag:s19] =	ssyncset.done $0x0  }
0x48: {  	s28 =	sadd.s32 $0xA80, s6;
	p0 =	por p6, p6;
	[sflag:s19] =	ssyncadd.s32 $0xFFFFE700  }
0x49: {  	[hbm4b:s6+s2] =	stream.linear.scatter [tilespmem:s14], [sflag:$0x4], $0x1900, $0x38;
	[tilespmem:$0x12000] =	vst v63  }
0x4a: {  	s23 =	sadd.s32 $0x1C00, s6;
	s30 =	sadd.s32 $0x380, s6;
	s31 =	sadd.s32 $0x700, s6  }
0x4b: {  	[hbm4b:s30+s2] =	stream.linear.scatter [tilespmem:s15], [sflag:$0x4], $0x1900, $0x38;
	[tilespmem:$0x12000] =	vst v63  }
0x4c: {  	s24 =	sadd.s32 $0x1C00, s7;
	s25 =	simm.s32 $0x1000;
	s26 =	simm.s32 $0x2000  }
0x4d: {  	[hbm4b:s31+s2] =	stream.linear.scatter [tilespmem:s16], [sflag:$0x4], $0x1900, $0x38;
	[tilespmem:$0x12000] =	vst v63  }
.LBB2_2:
0x4e: {  	[hbm4b:s28+s2] =	stream.linear.scatter [tilespmem:s17], [sflag:$0x4], $0x1900, $0x38;
	[tilespmem:$0x12000] =	vst v63  }
0x4f: {  	s28 =	smov.u32 s26  }
0x50: {  	s26 =	sadd.s32 $0x1000, s26;
	s29 =	simm.s32 @!p0 $0x3;
	p2 =	seq.s32 s28, $0x0  }
0x51: {  	p1 =	sne.s32 s26, $0x10000;
	_ =	swait.ge @!p0 [sflag:s29], $0x6400  }
0x52: {  	[sflag:s29] =	ssyncset.done @!p0 $0x0  }
0x53: {  	[sflag:s29] =	ssyncadd.s32 @!p0 $0xFFFF9C00;
	s29 =	simm.s32 @!p0 $0x4  }
0x54: {  	_ =	swait.ge @!p0 [sflag:s29], $0x6400  }
0x55: {  	[sflag:s29] =	ssyncset.done @!p0 $0x0  }
0x56: {  	[sflag:s29] =	ssyncadd.s32 @!p0 $0xFFFF9C00;
	s29 =	sshra.s32 s25, $0x2;
	s25 =	smov.u32 s28  }
0x57: {  	[tilespmem:s10], [sflag:$0x1] =	stream.indirect.gather [hbm4b:s3+s9], $0x80, s29, s9, $0xb8;
	[tilespmem:$0x12000] =	vst v63  }
0x58: {  	p0 =	por p2, p2;
	s28 =	sadd.s32 $0x80, s29  }
0x59: {  	[tilespmem:s11], [sflag:$0x1] =	stream.indirect.gather [hbm4b:s3+s9], $0x80, s28, s9, $0xb8;
	[tilespmem:$0x12000] =	vst v63  }
0x5a: {  	s28 =	sadd.s32 $0x100, s29  }
0x5b: {  	[tilespmem:s12], [sflag:$0x1] =	stream.indirect.gather [hbm4b:s3+s9], $0x80, s28, s9, $0xb8;
	[tilespmem:$0x12000] =	vst v63  }
0x5c: {  	s28 =	sadd.s32 $0x180, s29  }
0x5d: {  	[tilespmem:s13], [sflag:$0x1] =	stream.indirect.gather [hbm4b:s3+s9], $0x80, s28, s9, $0xb8;
	[tilespmem:$0x12000] =	vst v63  }
0x5e: {  	s28 =	sadd.s32 $0x200, s29  }
0x5f: {  	[tilespmem:s14], [sflag:$0x2] =	stream.indirect.gather [hbm4b:s3+s9], $0x80, s28, s9, $0xb8;
	[tilespmem:$0x12000] =	vst v63  }
0x60: {  	s28 =	sadd.s32 $0x280, s29  }
0x61: {  	[tilespmem:s15], [sflag:$0x2] =	stream.indirect.gather [hbm4b:s3+s9], $0x80, s28, s9, $0xb8;
	[tilespmem:$0x12000] =	vst v63  }
0x62: {  	s28 =	sadd.s32 $0x300, s29  }
0x63: {  	[tilespmem:s16], [sflag:$0x2] =	stream.indirect.gather [hbm4b:s3+s9], $0x80, s28, s9, $0xb8;
	[tilespmem:$0x12000] =	vst v63  }
0x64: {  	s28 =	sadd.s32 $0x380, s29  }
0x65: {  	[tilespmem:s17], [sflag:$0x2] =	stream.indirect.gather [hbm4b:s3+s9], $0x80, s28, s9, $0xb8;
	[tilespmem:$0x12000] =	vst v63  }
0x66: {  	_ =	swait.ge [sflag:s18], $0x1900  }
0x67: {  	[sflag:s18] =	ssyncset.done $0x0  }
0x68: {  	[sflag:s18] =	ssyncadd.s32 $0xFFFFE700  }
0x69: {  	_ =	swait.ge [sflag:s18], $0x1900  }
0x6a: {  	[sflag:s18] =	ssyncset.done $0x0  }
0x6b: {  	[sflag:s18] =	ssyncadd.s32 $0xFFFFE700  }
0x6c: {  	_ =	swait.ge [sflag:s18], $0x1900  }
0x6d: {  	[sflag:s18] =	ssyncset.done $0x0  }
0x6e: {  	[sflag:s18] =	ssyncadd.s32 $0xFFFFE700  }
0x6f: {  	_ =	swait.ge [sflag:s18], $0x1900  }
0x70: {  	[sflag:s18] =	ssyncset.done $0x0  }
0x71: {  	[sflag:s18] =	ssyncadd.s32 $0xFFFFE700  }
0x72: {  	[hbm4b:s24+s2] =	stream.linear.scatter [tilespmem:s10], [sflag:$0x3], $0x1900, $0x38;
	[tilespmem:$0x12000] =	vst v63  }
0x73: {  	s28 =	sadd.s32 $0x380, s24  }
0x74: {  	[hbm4b:s28+s2] =	stream.linear.scatter [tilespmem:s11], [sflag:$0x3], $0x1900, $0x38;
	[tilespmem:$0x12000] =	vst v63  }
0x75: {  	s28 =	sadd.s32 $0x700, s24  }
0x76: {  	[hbm4b:s28+s2] =	stream.linear.scatter [tilespmem:s12], [sflag:$0x3], $0x1900, $0x38;
	[tilespmem:$0x12000] =	vst v63  }
0x77: {  	s28 =	sadd.s32 $0xA80, s24  }
0x78: {  	[hbm4b:s28+s2] =	stream.linear.scatter [tilespmem:s13], [sflag:$0x3], $0x1900, $0x38;
	[tilespmem:$0x12000] =	vst v63  }
0x79: {  	_ =	swait.ge [sflag:s19], $0x1900  }
0x7a: {  	[sflag:s19] =	ssyncset.done $0x0  }
0x7b: {  	[sflag:s19] =	ssyncadd.s32 $0xFFFFE700  }
0x7c: {  	_ =	swait.ge [sflag:s19], $0x1900  }
0x7d: {  	[sflag:s19] =	ssyncset.done $0x0  }
0x7e: {  	[sflag:s19] =	ssyncadd.s32 $0xFFFFE700  }
0x7f: {  	_ =	swait.ge [sflag:s19], $0x1900  }
0x80: {  	[sflag:s19] =	ssyncset.done $0x0  }
0x81: {  	[sflag:s19] =	ssyncadd.s32 $0xFFFFE700  }
0x82: {  	_ =	swait.ge [sflag:s19], $0x1900  }
0x83: {  	[sflag:s19] =	ssyncset.done $0x0  }
0x84: {  	[sflag:s19] =	ssyncadd.s32 $0xFFFFE700  }
0x85: {  	[hbm4b:s23+s2] =	stream.linear.scatter [tilespmem:s14], [sflag:$0x4], $0x1900, $0x38;
	[tilespmem:$0x12000] =	vst v63  }
.Ltmp0:
0x86: {  	s28 =	sadd.s32 $0x380, s23;
	(pc) =	sbr.rel @p1 .LBB2_2-.Ltmp0, $4  }
0x87: {  	[hbm4b:s28+s2] =	stream.linear.scatter [tilespmem:s15], [sflag:$0x4], $0x1900, $0x38;
	[tilespmem:$0x12000] =	vst v63  }
0x88: {  	s28 =	sadd.s32 $0x700, s23  }
0x89: {  	[hbm4b:s28+s2] =	stream.linear.scatter [tilespmem:s16], [sflag:$0x4], $0x1900, $0x38;
	[tilespmem:$0x12000] =	vst v63  }
0x8a: {  	s24 =	sadd.s32 $0x1C00, s24;
	s28 =	sadd.s32 $0xA80, s23;
	s23 =	sadd.s32 $0x1C00, s23  }
0x8b: {  	[hbm4b:s28+s2] =	stream.linear.scatter [tilespmem:s17], [sflag:$0x4], $0x1900, $0x38;
	[tilespmem:$0x12000] =	vst v63  }
0x8c: {  	s26 =	simm.s32 @!p0 $0x3  }
0x8d: {  	_ =	swait.ge @!p0 [sflag:s26], $0x6400  }
0x8e: {  	[sflag:s26] =	ssyncset.done @!p0 $0x0  }
0x8f: {  	[sflag:s26] =	ssyncadd.s32 @!p0 $0xFFFF9C00;
	s26 =	simm.s32 @!p0 $0x4  }
0x90: {  	_ =	swait.ge @!p0 [sflag:s26], $0x6400  }
0x91: {  	[sflag:s26] =	ssyncset.done @!p0 $0x0  }
0x92: {  	s25 =	sshra.s32 s25, $0x2;
	[sflag:s26] =	ssyncadd.s32 @!p0 $0xFFFF9C00  }
0x93: {  	[tilespmem:s10], [sflag:$0x1] =	stream.indirect.gather [hbm4b:s3+s9], $0x80, s25, s9, $0xb8;
	[tilespmem:$0x12000] =	vst v63  }
0x94: {  	s29 =	sadd.s32 $0x80, s25  }
0x95: {  	[tilespmem:s11], [sflag:$0x1] =	stream.indirect.gather [hbm4b:s3+s9], $0x80, s29, s9, $0xb8;
	[tilespmem:$0x12000] =	vst v63  }
0x96: {  	s30 =	sadd.s32 $0x100, s25  }
0x97: {  	[tilespmem:s12], [sflag:$0x1] =	stream.indirect.gather [hbm4b:s3+s9], $0x80, s30, s9, $0xb8;
	[tilespmem:$0x12000] =	vst v63  }
0x98: {  	s31 =	sadd.s32 $0x180, s25  }
0x99: {  	[tilespmem:s13], [sflag:$0x1] =	stream.indirect.gather [hbm4b:s3+s9], $0x80, s31, s9, $0xb8;
	[tilespmem:$0x12000] =	vst v63  }
0x9a: {  	s28 =	sadd.s32 $0x200, s25  }
0x9b: {  	[tilespmem:s14], [sflag:$0x2] =	stream.indirect.gather [hbm4b:s3+s9], $0x80, s28, s9, $0xb8;
	[tilespmem:$0x12000] =	vst v63  }
0x9c: {  	s29 =	sadd.s32 $0x280, s25  }
0x9d: {  	[tilespmem:s15], [sflag:$0x2] =	stream.indirect.gather [hbm4b:s3+s9], $0x80, s29, s9, $0xb8;
	[tilespmem:$0x12000] =	vst v63  }
0x9e: {  	s30 =	sadd.s32 $0x300, s25  }
0x9f: {  	[tilespmem:s16], [sflag:$0x2] =	stream.indirect.gather [hbm4b:s3+s9], $0x80, s30, s9, $0xb8;
	[tilespmem:$0x12000] =	vst v63  }
0xa0: {  	s25 =	sadd.s32 $0x380, s25  }
0xa1: {  	[tilespmem:s17], [sflag:$0x2] =	stream.indirect.gather [hbm4b:s3+s9], $0x80, s25, s9, $0xb8;
	[tilespmem:$0x12000] =	vst v63  }
0xa2: {  	_ =	swait.ge [sflag:s18], $0x1900  }
0xa3: {  	[sflag:s18] =	ssyncset.done $0x0  }
0xa4: {  	[sflag:s18] =	ssyncadd.s32 $0xFFFFE700  }
0xa5: {  	_ =	swait.ge [sflag:s18], $0x1900  }
0xa6: {  	[sflag:s18] =	ssyncset.done $0x0  }
0xa7: {  	[sflag:s18] =	ssyncadd.s32 $0xFFFFE700  }
0xa8: {  	_ =	swait.ge [sflag:s18], $0x1900  }
0xa9: {  	[sflag:s18] =	ssyncset.done $0x0  }
0xaa: {  	[sflag:s18] =	ssyncadd.s32 $0xFFFFE700  }
0xab: {  	_ =	swait.ge [sflag:s18], $0x1900  }
0xac: {  	[sflag:s18] =	ssyncset.done $0x0  }
0xad: {  	[sflag:s18] =	ssyncadd.s32 $0xFFFFE700  }
0xae: {  	[hbm4b:s24+s2] =	stream.linear.scatter [tilespmem:s10], [sflag:$0x3], $0x1900, $0x38;
	[tilespmem:$0x12000] =	vst v63  }
0xaf: {  	s31 =	sadd.s32 $0x380, s24  }
0xb0: {  	[hbm4b:s31+s2] =	stream.linear.scatter [tilespmem:s11], [sflag:$0x3], $0x1900, $0x38;
	[tilespmem:$0x12000] =	vst v63  }
0xb1: {  	s26 =	sadd.s32 $0x700, s24  }
0xb2: {  	[hbm4b:s26+s2] =	stream.linear.scatter [tilespmem:s12], [sflag:$0x3], $0x1900, $0x38;
	[tilespmem:$0x12000] =	vst v63  }
0xb3: {  	s28 =	sadd.s32 $0xA80, s24  }
0xb4: {  	[hbm4b:s28+s2] =	stream.linear.scatter [tilespmem:s13], [sflag:$0x3], $0x1900, $0x38;
	[tilespmem:$0x12000] =	vst v63  }
0xb5: {  	_ =	swait.ge [sflag:s19], $0x1900  }
0xb6: {  	[sflag:s19] =	ssyncset.done $0x0  }
0xb7: {  	[sflag:s19] =	ssyncadd.s32 $0xFFFFE700  }
0xb8: {  	_ =	swait.ge [sflag:s19], $0x1900  }
0xb9: {  	[sflag:s19] =	ssyncset.done $0x0  }
0xba: {  	[sflag:s19] =	ssyncadd.s32 $0xFFFFE700  }
0xbb: {  	_ =	swait.ge [sflag:s19], $0x1900  }
0xbc: {  	[sflag:s19] =	ssyncset.done $0x0  }
0xbd: {  	[sflag:s19] =	ssyncadd.s32 $0xFFFFE700  }
0xbe: {  	_ =	swait.ge [sflag:s19], $0x1900  }
0xbf: {  	[sflag:s19] =	ssyncset.done $0x0  }
0xc0: {  	[sflag:s19] =	ssyncadd.s32 $0xFFFFE700  }
0xc1: {  	[hbm4b:s23+s2] =	stream.linear.scatter [tilespmem:s14], [sflag:$0x4], $0x1900, $0x38;
	[tilespmem:$0x12000] =	vst v63  }
0xc2: {  	s29 =	sadd.s32 $0x380, s23  }
0xc3: {  	[hbm4b:s29+s2] =	stream.linear.scatter [tilespmem:s15], [sflag:$0x4], $0x1900, $0x38;
	[tilespmem:$0x12000] =	vst v63  }
0xc4: {  	s30 =	sadd.s32 $0x700, s23  }
0xc5: {  	[hbm4b:s30+s2] =	stream.linear.scatter [tilespmem:s16], [sflag:$0x4], $0x1900, $0x38;
	[tilespmem:$0x12000] =	vst v63  }
0xc6: {  	s22 =	sadd.s32 $0x1, s22;
	s31 =	sadd.s32 $0xA80, s23  }
0xc7: {  	[hbm4b:s31+s2] =	stream.linear.scatter [tilespmem:s17], [sflag:$0x4], $0x1900, $0x38;
	[tilespmem:$0x12000] =	vst v63  }
0xc8: {  	p0 =	sne.s32 s22, s5;
	_ =	swait.ge [sflag:s20], $0x6400  }
.Ltmp1:
0xc9: {  	[sflag:s20] =	ssyncset.done $0x0;
	(pc) =	sbr.rel @p0 .LBB2_1-.Ltmp1, $4  }
0xca: {  	[sflag:s20] =	ssyncadd.s32 $0xFFFF9C00  }
0xcb: {  	_ =	swait.ge [sflag:s21], $0x6400  }
0xcc: {  	[sflag:s21] =	ssyncset.done $0x0  }
0xcd: {  	[sflag:s21] =	ssyncadd.s32 $0xFFFF9C00  }
0xce: {  	_ =	sfence.sel $0x180000  }
0xcf: {  	[bflag:$0x0] =	sbarrier.arrive $0xFFFF  }
0xd0: {  	p0 =	sne.s32 s1, $0x0;
	_ =	strace $0x90000047  }
0xd1: {  	s0 =	sadd.s32 @!p0 $0x100000, s0;
	[bflag:$0x2] =	sbarrier.arrive $0xFFFF  }
0xd2: {  	[sflag:s0] =	ssyncadd.tile.s32 @!p0 $0x1;
	_ =	shalt  }
.Lfunc_end2:
_tile_overlayer_lowered:
.L_overlay_start_2:
0xd3: {  	(tag) =	ssettag $0x2  }
0xd4: {  	s0 =	rddreg [dreg:$0x0];
	s2 =	stileid.u32  }
0xd5: {  	s1 =	rddreg [dreg:$0x1];
	p0 =	sne.s32 s2, $0x0  }
0xd6: {  	s3 =	rddreg [dreg:$0x2];
	[bflag:$0x3] =	sbarrier.arrive $0xFFFF;
	s2 =	simm.s32 @!p0 $0x1C05  }
0xd7: {  	[timem:s3], [sflag:s2] =	dma.local @!p0 [hbm:s0], s1  }
0xd8: {  	s0 =	simm.s32 @!p0 $0x5  }
0xd9: {  	_ =	swait.ge @!p0 [sflag:s0], s1  }
0xda: {  	s1 =	ssub.s32 @!p0 $0x0, s1;
	[sflag:s0] =	ssyncset.done @!p0 $0x0  }
0xdb: {  	[sflag:s0] =	ssyncadd.s32 @!p0 s1  }
0xdc: {  	[bflag:$0x3] =	sbarrier.arrive $0xFFFF  }
0xdd: {  	_ =	shalt  }

</sc_bundles>
